<compile_context>
chip_gen: v7x
topology: tpu7x:2x2x1
jax: 0.10.2.dev20260603
libtpu: 0.0.44.dev20260713+nightly
codegen_flags: <defaults>
</compile_context>

<pallas_src>
import jax
import jax.numpy as jnp
from jax import lax
from jax.experimental import pallas as pl
from jax.experimental.pallas import tpu as pltpu
from jax.experimental.pallas import tpu_sc as plsc

B = 16384
D = 10
XCOL = 6
NC = 1
NS = 16
NW = NC * NS
BPW = B // NW
CHUNK = 16
NCHUNK = BPW // CHUNK
UNROLL = 4


def _body(xf, tg, ta, to, tz, wg, wa, wo, wz, out,
          x_v, th_v, w_v, obuf, sem):
  wid = lax.axis_index("s") * NC + lax.axis_index("c")
  base = wid * BPW

  copies = [
      pltpu.async_copy(xf.at[pl.ds(base * XCOL, BPW * XCOL)], x_v, sem),
      pltpu.async_copy(tg.at[pl.ds(0, 2 * D)], th_v.at[pl.ds(0, 2 * D)], sem),
      pltpu.async_copy(ta.at[pl.ds(0, 2 * D)],
                       th_v.at[pl.ds(32, 2 * D)], sem),
      pltpu.async_copy(to.at[pl.ds(0, 2 * D)],
                       th_v.at[pl.ds(64, 2 * D)], sem),
      pltpu.async_copy(tz.at[pl.ds(0, 2 * D)],
                       th_v.at[pl.ds(96, 2 * D)], sem),
      pltpu.async_copy(wg, w_v.at[pl.ds(0, D)], sem),
      pltpu.async_copy(wa, w_v.at[pl.ds(16, D)], sem),
      pltpu.async_copy(wo, w_v.at[pl.ds(32, D)], sem),
      pltpu.async_copy(wz, w_v.at[pl.ds(48, D)], sem),
  ]
  for c in copies:
    c.wait()

  lane = jnp.arange(CHUNK, dtype=jnp.int32)

  wrows = [w_v[pl.ds(t * 16, 16)] for t in range(4)]
  inv = 1.0 / (wrows[0] + wrows[1] + wrows[2] + wrows[3])
  sw = [w * inv for w in wrows]
  r0s = [plsc.load_gather(th_v, [lane + 32 * t]) for t in range(4)]
  r1s = [plsc.load_gather(th_v, [lane + (32 * t + D)]) for t in range(4)]
  basev = (r0s[0] * sw[0] + r0s[1] * sw[1] + r0s[2] * sw[2] +
           r0s[3] * sw[3])
  delv = [(r1s[t] - r0s[t]) * sw[t] for t in range(4)]
  base_s = [basev[d] for d in range(D)]
  del_s = [[delv[t][d] for t in range(4)] for d in range(D)]

  lane6 = lane * XCOL
  lane10 = lane * D

  def chunk(c, carry):
    for u in range(UNROLL):
      r0 = (c * UNROLL + u) * CHUNK
      x0 = r0 * XCOL
      bg = plsc.load_gather(x_v, [lane6 + (x0 + 3)]).astype(jnp.float32)
      ba = plsc.load_gather(x_v, [lane6 + (x0 + 2)]).astype(jnp.float32)
      bo = plsc.load_gather(x_v, [lane6 + (x0 + 4)]).astype(jnp.float32)
      bz = plsc.load_gather(x_v, [lane6 + (x0 + 5)]).astype(jnp.float32)
      orow = r0 * D + lane10
      for d in range(D):
        acc = (base_s[d] + bg * del_s[d][0] + ba * del_s[d][1] +
               bo * del_s[d][2] + bz * del_s[d][3])
        plsc.store_scatter(obuf, [orow + d], acc)
    return carry

  lax.fori_loop(0, NCHUNK // UNROLL, chunk, 0)
  pltpu.sync_copy(obuf, out.at[pl.ds(base * D, BPW * D)])


def kernel(x, emb_gender, emb_age, emb_occupation, emb_area,
           w_gender, w_age, w_occupation, w_area):
  mesh = plsc.VectorSubcoreMesh(core_axis_name="c", subcore_axis_name="s",
                                num_cores=NC)
  f = pl.kernel(
      _body,
      out_type=jax.ShapeDtypeStruct((B * D,), jnp.float32),
      mesh=mesh,
      compiler_params=pltpu.CompilerParams(needs_layout_passes=False),
      scratch_types=[
          pltpu.VMEM((BPW * XCOL,), jnp.int32),
          pltpu.VMEM((128,), jnp.float32),
          pltpu.VMEM((64,), jnp.float32),
          pltpu.VMEM((BPW * D,), jnp.float32),
          pltpu.SemaphoreType.DMA,
      ],
  )
  out = f(x.astype(jnp.int32).reshape(-1),
          emb_gender.reshape(-1), emb_age.reshape(-1),
          emb_occupation.reshape(-1), emb_area.reshape(-1),
          w_gender, w_age, w_occupation, w_area)
  return out.reshape(B, D)

# --- scband reference (transcript-rebuilt; emitter-appended) ---
"""Pipeline reference for scband-user-100k-13065290514601 (READ-ONLY COPY).

The authoritative reference and input builder live on the scoring server;
editing this copy changes nothing except your own understanding.
"""

import jax, jax.numpy as jnp
import numpy as np

B = 16384
EMB_DIM = 10
NUM_GENDER = 2
NUM_AGE = 61
NUM_OCC = 21
NUM_ZIP = 795


def setup_inputs(seed: int = 0) -> dict:
    key = jax.random.key(seed)
    ks = jax.random.split(key, 6)
    x = jax.random.randint(ks[0], (B, 6), 0, 2, dtype=jnp.int64) if jax.config.jax_enable_x64 else jax.random.randint(ks[0], (B, 6), 0, 2).astype(jnp.int32)
    emb_gender = jax.random.normal(ks[1], (NUM_GENDER, EMB_DIM), dtype=jnp.float32)
    emb_age = jax.random.normal(ks[2], (NUM_AGE, EMB_DIM), dtype=jnp.float32)
    emb_occupation = jax.random.normal(ks[3], (NUM_OCC, EMB_DIM), dtype=jnp.float32)
    emb_area = jax.random.normal(ks[4], (NUM_ZIP, EMB_DIM), dtype=jnp.float32)
    w_gender = jnp.ones((EMB_DIM,), dtype=jnp.float32)
    w_age = jnp.ones((EMB_DIM,), dtype=jnp.float32)
    w_occupation = jnp.ones((EMB_DIM,), dtype=jnp.float32)
    w_area = jnp.ones((EMB_DIM,), dtype=jnp.float32)
    return {
        "x": x,
        "emb_gender": emb_gender,
        "emb_age": emb_age,
        "emb_occupation": emb_occupation,
        "emb_area": emb_area,
        "w_gender": w_gender,
        "w_age": w_age,
        "w_occupation": w_occupation,
        "w_area": w_area,
    }


def reference(x, emb_gender, emb_age, emb_occupation, emb_area,
              w_gender, w_age, w_occupation, w_area):
    gender_emb = jnp.take(emb_gender, x[:, 3], axis=0)
    age_emb = jnp.take(emb_age, x[:, 2], axis=0)
    occupation_emb = jnp.take(emb_occupation, x[:, 4], axis=0)
    area_emb = jnp.take(emb_area, x[:, 5], axis=0)
    gender_w = gender_emb * w_gender
    age_w = age_emb * w_age
    occupation_w = occupation_emb * w_occupation
    area_w = area_emb * w_area
    total_weight = w_gender + w_age + w_occupation + w_area
    weighted_avg_emb = (gender_w + age_w + occupation_w + area_w) / total_weight
    return weighted_avg_emb

if __name__ == "__main__":
    import jax
    _d = setup_inputs()
    print(jax.jit(kernel)(*tuple(_d.values())))

</pallas_src>

<mosaic_0001>
#map = affine_map<(d0, d1) -> (0)>
module attributes {stable_mosaic.version = 14 : i64} {
  func.func @_body(%arg0: i32, %arg1: i32, %arg2: memref<98304xi32, #tpu.memory_space<hbm>>, %arg3: memref<20xf32, #tpu.memory_space<hbm>>, %arg4: memref<610xf32, #tpu.memory_space<hbm>>, %arg5: memref<210xf32, #tpu.memory_space<hbm>>, %arg6: memref<7950xf32, #tpu.memory_space<hbm>>, %arg7: memref<10xf32, #tpu.memory_space<hbm>>, %arg8: memref<10xf32, #tpu.memory_space<hbm>>, %arg9: memref<10xf32, #tpu.memory_space<hbm>>, %arg10: memref<10xf32, #tpu.memory_space<hbm>>, %arg11: memref<163840xf32, #tpu.memory_space<hbm>>, %arg12: memref<6144xi32, #tpu.memory_space<vmem>>, %arg13: memref<128xf32, #tpu.memory_space<vmem>>, %arg14: memref<64xf32, #tpu.memory_space<vmem>>, %arg15: memref<10240xf32, #tpu.memory_space<vmem>>, %arg16: memref<!tpu.dma_semaphore, #tpu.memory_space<semaphore_mem>>) attributes {dimension_semantics = [#tpu.dimension_semantics<core_parallel>, #tpu.dimension_semantics<subcore_parallel>], iteration_bounds = array<i64: 1, 16>, scalar_prefetch = 0 : i64, scratch_operands = 5 : i64, tpu.core_type = #tpu.core_type<sc_vector_subcore>, window_params = [{transform_indices = #map}, {transform_indices = #map}, {transform_indices = #map}, {transform_indices = #map}, {transform_indices = #map}, {transform_indices = #map}, {transform_indices = #map}, {transform_indices = #map}, {transform_indices = #map}, {transform_indices = #map}]} {
    %mul3A = arith.constant 1 : i32
    %mul3A_0 = arith.muli %arg1, %mul3A : i32
    %add3A = arith.addi %mul3A_0, %arg0 : i32
    %mul3A_1 = arith.constant 1024 : i32
    %mul3A_2 = arith.muli %add3A, %mul3A_1 : i32
    %mul3A_3 = arith.constant 6 : i32
    %mul3A_4 = arith.muli %mul3A_2, %mul3A_3 : i32
    %dma_start3A = tpu.memref_slice %arg2[%mul3A_4] : memref<98304xi32, #tpu.memory_space<hbm>> -> memref<6144xi32, #tpu.memory_space<hbm>>
    %dma_start3A_5 = tpu.memref_slice %arg2[%mul3A_4] : memref<98304xi32, #tpu.memory_space<hbm>> -> memref<6144xi32, #tpu.memory_space<hbm>>
    tpu.enqueue_dma source(%dma_start3A_5 : memref<6144xi32, #tpu.memory_space<hbm>>) target(%arg12 : memref<6144xi32, #tpu.memory_space<vmem>>) target_semaphore(%arg16 : memref<!tpu.dma_semaphore, #tpu.memory_space<semaphore_mem>>)
    %dma_start3A_6 = arith.constant 0 : i32
    %dma_start3A_7 = tpu.memref_slice %arg13[%dma_start3A_6] : memref<128xf32, #tpu.memory_space<vmem>> -> memref<20xf32, #tpu.memory_space<vmem>>
    %dma_start3A_8 = arith.constant 0 : i32
    %dma_start3A_9 = tpu.memref_slice %arg3[%dma_start3A_8] : memref<20xf32, #tpu.memory_space<hbm>> -> memref<20xf32, #tpu.memory_space<hbm>>
    %dma_start3A_10 = arith.constant 0 : i32
    %dma_start3A_11 = tpu.memref_slice %arg13[%dma_start3A_10] : memref<128xf32, #tpu.memory_space<vmem>> -> memref<20xf32, #tpu.memory_space<vmem>>
    %dma_start3A_12 = arith.constant 0 : i32
    %dma_start3A_13 = tpu.memref_slice %arg3[%dma_start3A_12] : memref<20xf32, #tpu.memory_space<hbm>> -> memref<20xf32, #tpu.memory_space<hbm>>
    tpu.enqueue_dma source(%dma_start3A_13 : memref<20xf32, #tpu.memory_space<hbm>>) target(%dma_start3A_11 : memref<20xf32, #tpu.memory_space<vmem>>) target_semaphore(%arg16 : memref<!tpu.dma_semaphore, #tpu.memory_space<semaphore_mem>>)
    %dma_start3A_14 = arith.constant 32 : i32
    %dma_start3A_15 = tpu.memref_slice %arg13[%dma_start3A_14] : memref<128xf32, #tpu.memory_space<vmem>> -> memref<20xf32, #tpu.memory_space<vmem>>
    %dma_start3A_16 = arith.constant 0 : i32
    %dma_start3A_17 = tpu.memref_slice %arg4[%dma_start3A_16] : memref<610xf32, #tpu.memory_space<hbm>> -> memref<20xf32, #tpu.memory_space<hbm>>
    %dma_start3A_18 = arith.constant 32 : i32
    %dma_start3A_19 = tpu.memref_slice %arg13[%dma_start3A_18] : memref<128xf32, #tpu.memory_space<vmem>> -> memref<20xf32, #tpu.memory_space<vmem>>
    %dma_start3A_20 = arith.constant 0 : i32
    %dma_start3A_21 = tpu.memref_slice %arg4[%dma_start3A_20] : memref<610xf32, #tpu.memory_space<hbm>> -> memref<20xf32, #tpu.memory_space<hbm>>
    tpu.enqueue_dma source(%dma_start3A_21 : memref<20xf32, #tpu.memory_space<hbm>>) target(%dma_start3A_19 : memref<20xf32, #tpu.memory_space<vmem>>) target_semaphore(%arg16 : memref<!tpu.dma_semaphore, #tpu.memory_space<semaphore_mem>>)
    %dma_start3A_22 = arith.constant 64 : i32
    %dma_start3A_23 = tpu.memref_slice %arg13[%dma_start3A_22] : memref<128xf32, #tpu.memory_space<vmem>> -> memref<20xf32, #tpu.memory_space<vmem>>
    %dma_start3A_24 = arith.constant 0 : i32
    %dma_start3A_25 = tpu.memref_slice %arg5[%dma_start3A_24] : memref<210xf32, #tpu.memory_space<hbm>> -> memref<20xf32, #tpu.memory_space<hbm>>
    %dma_start3A_26 = arith.constant 64 : i32
    %dma_start3A_27 = tpu.memref_slice %arg13[%dma_start3A_26] : memref<128xf32, #tpu.memory_space<vmem>> -> memref<20xf32, #tpu.memory_space<vmem>>
    %dma_start3A_28 = arith.constant 0 : i32
    %dma_start3A_29 = tpu.memref_slice %arg5[%dma_start3A_28] : memref<210xf32, #tpu.memory_space<hbm>> -> memref<20xf32, #tpu.memory_space<hbm>>
    tpu.enqueue_dma source(%dma_start3A_29 : memref<20xf32, #tpu.memory_space<hbm>>) target(%dma_start3A_27 : memref<20xf32, #tpu.memory_space<vmem>>) target_semaphore(%arg16 : memref<!tpu.dma_semaphore, #tpu.memory_space<semaphore_mem>>)
    %dma_start3A_30 = arith.constant 96 : i32
    %dma_start3A_31 = tpu.memref_slice %arg13[%dma_start3A_30] : memref<128xf32, #tpu.memory_space<vmem>> -> memref<20xf32, #tpu.memory_space<vmem>>
    %dma_start3A_32 = arith.constant 0 : i32
    %dma_start3A_33 = tpu.memref_slice %arg6[%dma_start3A_32] : memref<7950xf32, #tpu.memory_space<hbm>> -> memref<20xf32, #tpu.memory_space<hbm>>
    %dma_start3A_34 = arith.constant 96 : i32
    %dma_start3A_35 = tpu.memref_slice %arg13[%dma_start3A_34] : memref<128xf32, #tpu.memory_space<vmem>> -> memref<20xf32, #tpu.memory_space<vmem>>
    %dma_start3A_36 = arith.constant 0 : i32
    %dma_start3A_37 = tpu.memref_slice %arg6[%dma_start3A_36] : memref<7950xf32, #tpu.memory_space<hbm>> -> memref<20xf32, #tpu.memory_space<hbm>>
    tpu.enqueue_dma source(%dma_start3A_37 : memref<20xf32, #tpu.memory_space<hbm>>) target(%dma_start3A_35 : memref<20xf32, #tpu.memory_space<vmem>>) target_semaphore(%arg16 : memref<!tpu.dma_semaphore, #tpu.memory_space<semaphore_mem>>)
    %dma_start3A_38 = arith.constant 0 : i32
    %dma_start3A_39 = tpu.memref_slice %arg14[%dma_start3A_38] : memref<64xf32, #tpu.memory_space<vmem>> -> memref<10xf32, #tpu.memory_space<vmem>>
    %dma_start3A_40 = arith.constant 0 : i32
    %dma_start3A_41 = tpu.memref_slice %arg14[%dma_start3A_40] : memref<64xf32, #tpu.memory_space<vmem>> -> memref<10xf32, #tpu.memory_space<vmem>>
    tpu.enqueue_dma source(%arg7 : memref<10xf32, #tpu.memory_space<hbm>>) target(%dma_start3A_41 : memref<10xf32, #tpu.memory_space<vmem>>) target_semaphore(%arg16 : memref<!tpu.dma_semaphore, #tpu.memory_space<semaphore_mem>>)
    %dma_start3A_42 = arith.constant 16 : i32
    %dma_start3A_43 = tpu.memref_slice %arg14[%dma_start3A_42] : memref<64xf32, #tpu.memory_space<vmem>> -> memref<10xf32, #tpu.memory_space<vmem>>
    %dma_start3A_44 = arith.constant 16 : i32
    %dma_start3A_45 = tpu.memref_slice %arg14[%dma_start3A_44] : memref<64xf32, #tpu.memory_space<vmem>> -> memref<10xf32, #tpu.memory_space<vmem>>
    tpu.enqueue_dma source(%arg8 : memref<10xf32, #tpu.memory_space<hbm>>) target(%dma_start3A_45 : memref<10xf32, #tpu.memory_space<vmem>>) target_semaphore(%arg16 : memref<!tpu.dma_semaphore, #tpu.memory_space<semaphore_mem>>)
    %dma_start3A_46 = arith.constant 32 : i32
    %dma_start3A_47 = tpu.memref_slice %arg14[%dma_start3A_46] : memref<64xf32, #tpu.memory_space<vmem>> -> memref<10xf32, #tpu.memory_space<vmem>>
    %dma_start3A_48 = arith.constant 32 : i32
    %dma_start3A_49 = tpu.memref_slice %arg14[%dma_start3A_48] : memref<64xf32, #tpu.memory_space<vmem>> -> memref<10xf32, #tpu.memory_space<vmem>>
    tpu.enqueue_dma source(%arg9 : memref<10xf32, #tpu.memory_space<hbm>>) target(%dma_start3A_49 : memref<10xf32, #tpu.memory_space<vmem>>) target_semaphore(%arg16 : memref<!tpu.dma_semaphore, #tpu.memory_space<semaphore_mem>>)
    %dma_start3A_50 = arith.constant 48 : i32
    %dma_start3A_51 = tpu.memref_slice %arg14[%dma_start3A_50] : memref<64xf32, #tpu.memory_space<vmem>> -> memref<10xf32, #tpu.memory_space<vmem>>
    %dma_start3A_52 = arith.constant 48 : i32
    %dma_start3A_53 = tpu.memref_slice %arg14[%dma_start3A_52] : memref<64xf32, #tpu.memory_space<vmem>> -> memref<10xf32, #tpu.memory_space<vmem>>
    tpu.enqueue_dma source(%arg10 : memref<10xf32, #tpu.memory_space<hbm>>) target(%dma_start3A_53 : memref<10xf32, #tpu.memory_space<vmem>>) target_semaphore(%arg16 : memref<!tpu.dma_semaphore, #tpu.memory_space<semaphore_mem>>)
    %dma_wait3A = tpu.memref_slice %arg2[%mul3A_4] : memref<98304xi32, #tpu.memory_space<hbm>> -> memref<6144xi32, #tpu.memory_space<hbm>>
    %dma_wait3A_54 = tpu.memref_slice %arg2[%mul3A_4] : memref<98304xi32, #tpu.memory_space<hbm>> -> memref<6144xi32, #tpu.memory_space<hbm>>
    tpu.wait_dma2 semaphore(%arg16 : memref<!tpu.dma_semaphore, #tpu.memory_space<semaphore_mem>>) src(%dma_wait3A_54 : memref<6144xi32, #tpu.memory_space<hbm>>) dst(%arg12 : memref<6144xi32, #tpu.memory_space<vmem>>)
    %dma_wait3A_55 = arith.constant 0 : i32
    %dma_wait3A_56 = tpu.memref_slice %arg13[%dma_wait3A_55] : memref<128xf32, #tpu.memory_space<vmem>> -> memref<20xf32, #tpu.memory_space<vmem>>
    %dma_wait3A_57 = arith.constant 0 : i32
    %dma_wait3A_58 = tpu.memref_slice %arg3[%dma_wait3A_57] : memref<20xf32, #tpu.memory_space<hbm>> -> memref<20xf32, #tpu.memory_space<hbm>>
    %dma_wait3A_59 = arith.constant 0 : i32
    %dma_wait3A_60 = tpu.memref_slice %arg13[%dma_wait3A_59] : memref<128xf32, #tpu.memory_space<vmem>> -> memref<20xf32, #tpu.memory_space<vmem>>
    %dma_wait3A_61 = arith.constant 0 : i32
    %dma_wait3A_62 = tpu.memref_slice %arg3[%dma_wait3A_61] : memref<20xf32, #tpu.memory_space<hbm>> -> memref<20xf32, #tpu.memory_space<hbm>>
    tpu.wait_dma2 semaphore(%arg16 : memref<!tpu.dma_semaphore, #tpu.memory_space<semaphore_mem>>) src(%dma_wait3A_62 : memref<20xf32, #tpu.memory_space<hbm>>) dst(%dma_wait3A_60 : memref<20xf32, #tpu.memory_space<vmem>>)
    %dma_wait3A_63 = arith.constant 32 : i32
    %dma_wait3A_64 = tpu.memref_slice %arg13[%dma_wait3A_63] : memref<128xf32, #tpu.memory_space<vmem>> -> memref<20xf32, #tpu.memory_space<vmem>>
    %dma_wait3A_65 = arith.constant 0 : i32
    %dma_wait3A_66 = tpu.memref_slice %arg4[%dma_wait3A_65] : memref<610xf32, #tpu.memory_space<hbm>> -> memref<20xf32, #tpu.memory_space<hbm>>
    %dma_wait3A_67 = arith.constant 32 : i32
    %dma_wait3A_68 = tpu.memref_slice %arg13[%dma_wait3A_67] : memref<128xf32, #tpu.memory_space<vmem>> -> memref<20xf32, #tpu.memory_space<vmem>>
    %dma_wait3A_69 = arith.constant 0 : i32
    %dma_wait3A_70 = tpu.memref_slice %arg4[%dma_wait3A_69] : memref<610xf32, #tpu.memory_space<hbm>> -> memref<20xf32, #tpu.memory_space<hbm>>
    tpu.wait_dma2 semaphore(%arg16 : memref<!tpu.dma_semaphore, #tpu.memory_space<semaphore_mem>>) src(%dma_wait3A_70 : memref<20xf32, #tpu.memory_space<hbm>>) dst(%dma_wait3A_68 : memref<20xf32, #tpu.memory_space<vmem>>)
    %dma_wait3A_71 = arith.constant 64 : i32
    %dma_wait3A_72 = tpu.memref_slice %arg13[%dma_wait3A_71] : memref<128xf32, #tpu.memory_space<vmem>> -> memref<20xf32, #tpu.memory_space<vmem>>
    %dma_wait3A_73 = arith.constant 0 : i32
    %dma_wait3A_74 = tpu.memref_slice %arg5[%dma_wait3A_73] : memref<210xf32, #tpu.memory_space<hbm>> -> memref<20xf32, #tpu.memory_space<hbm>>
    %dma_wait3A_75 = arith.constant 64 : i32
    %dma_wait3A_76 = tpu.memref_slice %arg13[%dma_wait3A_75] : memref<128xf32, #tpu.memory_space<vmem>> -> memref<20xf32, #tpu.memory_space<vmem>>
    %dma_wait3A_77 = arith.constant 0 : i32
    %dma_wait3A_78 = tpu.memref_slice %arg5[%dma_wait3A_77] : memref<210xf32, #tpu.memory_space<hbm>> -> memref<20xf32, #tpu.memory_space<hbm>>
    tpu.wait_dma2 semaphore(%arg16 : memref<!tpu.dma_semaphore, #tpu.memory_space<semaphore_mem>>) src(%dma_wait3A_78 : memref<20xf32, #tpu.memory_space<hbm>>) dst(%dma_wait3A_76 : memref<20xf32, #tpu.memory_space<vmem>>)
    %dma_wait3A_79 = arith.constant 96 : i32
    %dma_wait3A_80 = tpu.memref_slice %arg13[%dma_wait3A_79] : memref<128xf32, #tpu.memory_space<vmem>> -> memref<20xf32, #tpu.memory_space<vmem>>
    %dma_wait3A_81 = arith.constant 0 : i32
    %dma_wait3A_82 = tpu.memref_slice %arg6[%dma_wait3A_81] : memref<7950xf32, #tpu.memory_space<hbm>> -> memref<20xf32, #tpu.memory_space<hbm>>
    %dma_wait3A_83 = arith.constant 96 : i32
    %dma_wait3A_84 = tpu.memref_slice %arg13[%dma_wait3A_83] : memref<128xf32, #tpu.memory_space<vmem>> -> memref<20xf32, #tpu.memory_space<vmem>>
    %dma_wait3A_85 = arith.constant 0 : i32
    %dma_wait3A_86 = tpu.memref_slice %arg6[%dma_wait3A_85] : memref<7950xf32, #tpu.memory_space<hbm>> -> memref<20xf32, #tpu.memory_space<hbm>>
    tpu.wait_dma2 semaphore(%arg16 : memref<!tpu.dma_semaphore, #tpu.memory_space<semaphore_mem>>) src(%dma_wait3A_86 : memref<20xf32, #tpu.memory_space<hbm>>) dst(%dma_wait3A_84 : memref<20xf32, #tpu.memory_space<vmem>>)
    %dma_wait3A_87 = arith.constant 0 : i32
    %dma_wait3A_88 = tpu.memref_slice %arg14[%dma_wait3A_87] : memref<64xf32, #tpu.memory_space<vmem>> -> memref<10xf32, #tpu.memory_space<vmem>>
    %dma_wait3A_89 = arith.constant 0 : i32
    %dma_wait3A_90 = tpu.memref_slice %arg14[%dma_wait3A_89] : memref<64xf32, #tpu.memory_space<vmem>> -> memref<10xf32, #tpu.memory_space<vmem>>
    tpu.wait_dma2 semaphore(%arg16 : memref<!tpu.dma_semaphore, #tpu.memory_space<semaphore_mem>>) src(%arg7 : memref<10xf32, #tpu.memory_space<hbm>>) dst(%dma_wait3A_90 : memref<10xf32, #tpu.memory_space<vmem>>)
    %dma_wait3A_91 = arith.constant 16 : i32
    %dma_wait3A_92 = tpu.memref_slice %arg14[%dma_wait3A_91] : memref<64xf32, #tpu.memory_space<vmem>> -> memref<10xf32, #tpu.memory_space<vmem>>
    %dma_wait3A_93 = arith.constant 16 : i32
    %dma_wait3A_94 = tpu.memref_slice %arg14[%dma_wait3A_93] : memref<64xf32, #tpu.memory_space<vmem>> -> memref<10xf32, #tpu.memory_space<vmem>>
    tpu.wait_dma2 semaphore(%arg16 : memref<!tpu.dma_semaphore, #tpu.memory_space<semaphore_mem>>) src(%arg8 : memref<10xf32, #tpu.memory_space<hbm>>) dst(%dma_wait3A_94 : memref<10xf32, #tpu.memory_space<vmem>>)
    %dma_wait3A_95 = arith.constant 32 : i32
    %dma_wait3A_96 = tpu.memref_slice %arg14[%dma_wait3A_95] : memref<64xf32, #tpu.memory_space<vmem>> -> memref<10xf32, #tpu.memory_space<vmem>>
    %dma_wait3A_97 = arith.constant 32 : i32
    %dma_wait3A_98 = tpu.memref_slice %arg14[%dma_wait3A_97] : memref<64xf32, #tpu.memory_space<vmem>> -> memref<10xf32, #tpu.memory_space<vmem>>
    tpu.wait_dma2 semaphore(%arg16 : memref<!tpu.dma_semaphore, #tpu.memory_space<semaphore_mem>>) src(%arg9 : memref<10xf32, #tpu.memory_space<hbm>>) dst(%dma_wait3A_98 : memref<10xf32, #tpu.memory_space<vmem>>)
    %dma_wait3A_99 = arith.constant 48 : i32
    %dma_wait3A_100 = tpu.memref_slice %arg14[%dma_wait3A_99] : memref<64xf32, #tpu.memory_space<vmem>> -> memref<10xf32, #tpu.memory_space<vmem>>
    %dma_wait3A_101 = arith.constant 48 : i32
    %dma_wait3A_102 = tpu.memref_slice %arg14[%dma_wait3A_101] : memref<64xf32, #tpu.memory_space<vmem>> -> memref<10xf32, #tpu.memory_space<vmem>>
    tpu.wait_dma2 semaphore(%arg16 : memref<!tpu.dma_semaphore, #tpu.memory_space<semaphore_mem>>) src(%arg10 : memref<10xf32, #tpu.memory_space<hbm>>) dst(%dma_wait3A_102 : memref<10xf32, #tpu.memory_space<vmem>>)
    %iota3A = tpu.iota {dimensions = array<i32: 0>} : vector<16xi32>
    %get3A = arith.constant 0 : index
    %get3A_103 = tpu.vector_load %arg14[%get3A] {strides = array<i32>} : memref<64xf32, #tpu.memory_space<vmem>>, vector<16xf32>,
    %get3A_104 = arith.constant 16 : index
    %get3A_105 = tpu.vector_load %arg14[%get3A_104] {strides = array<i32>} : memref<64xf32, #tpu.memory_space<vmem>>, vector<16xf32>,
    %get3A_106 = arith.constant 32 : index
    %get3A_107 = tpu.vector_load %arg14[%get3A_106] {strides = array<i32>} : memref<64xf32, #tpu.memory_space<vmem>>, vector<16xf32>,
    %get3A_108 = arith.constant 48 : index
    %get3A_109 = tpu.vector_load %arg14[%get3A_108] {strides = array<i32>} : memref<64xf32, #tpu.memory_space<vmem>>, vector<16xf32>,
    %add3A_110 = arith.addf %get3A_103, %get3A_105 : vector<16xf32>
    %add3A_111 = arith.addf %add3A_110, %get3A_107 : vector<16xf32>
    %add3A_112 = arith.addf %add3A_111, %get3A_109 : vector<16xf32>
    %div3A = arith.constant 1.000000e+00 : f32
    %div3A_113 = vector.broadcast %div3A : f32 to vector<16xf32>
    %div3A_114 = arith.divf %div3A_113, %add3A_112 : vector<16xf32>
    %mul3A_115 = arith.mulf %get3A_103, %div3A_114 : vector<16xf32>
    %mul3A_116 = arith.mulf %get3A_105, %div3A_114 : vector<16xf32>
    %mul3A_117 = arith.mulf %get3A_107, %div3A_114 : vector<16xf32>
    %mul3A_118 = arith.mulf %get3A_109, %div3A_114 : vector<16xf32>
    %add3A_119 = arith.constant 0 : i32
    %add3A_120 = vector.broadcast %add3A_119 : i32 to vector<16xi32>
    %add3A_121 = arith.addi %iota3A, %add3A_120 : vector<16xi32>
    %gather3A = tpu.vector_load_idx %arg13[%add3A_121] : memref<128xf32, #tpu.memory_space<vmem>>[vector<16xi32>], vector<16xf32>,
    %add3A_122 = arith.constant 32 : i32
    %add3A_123 = vector.broadcast %add3A_122 : i32 to vector<16xi32>
    %add3A_124 = arith.addi %iota3A, %add3A_123 : vector<16xi32>
    %gather3A_125 = tpu.vector_load_idx %arg13[%add3A_124] : memref<128xf32, #tpu.memory_space<vmem>>[vector<16xi32>], vector<16xf32>,
    %add3A_126 = arith.constant 64 : i32
    %add3A_127 = vector.broadcast %add3A_126 : i32 to vector<16xi32>
    %add3A_128 = arith.addi %iota3A, %add3A_127 : vector<16xi32>
    %gather3A_129 = tpu.vector_load_idx %arg13[%add3A_128] : memref<128xf32, #tpu.memory_space<vmem>>[vector<16xi32>], vector<16xf32>,
    %add3A_130 = arith.constant 96 : i32
    %add3A_131 = vector.broadcast %add3A_130 : i32 to vector<16xi32>
    %add3A_132 = arith.addi %iota3A, %add3A_131 : vector<16xi32>
    %gather3A_133 = tpu.vector_load_idx %arg13[%add3A_132] : memref<128xf32, #tpu.memory_space<vmem>>[vector<16xi32>], vector<16xf32>,
    %add3A_134 = arith.constant 10 : i32
    %add3A_135 = vector.broadcast %add3A_134 : i32 to vector<16xi32>
    %add3A_136 = arith.addi %iota3A, %add3A_135 : vector<16xi32>
    %gather3A_137 = tpu.vector_load_idx %arg13[%add3A_136] : memref<128xf32, #tpu.memory_space<vmem>>[vector<16xi32>], vector<16xf32>,
    %add3A_138 = arith.constant 42 : i32
    %add3A_139 = vector.broadcast %add3A_138 : i32 to vector<16xi32>
    %add3A_140 = arith.addi %iota3A, %add3A_139 : vector<16xi32>
    %gather3A_141 = tpu.vector_load_idx %arg13[%add3A_140] : memref<128xf32, #tpu.memory_space<vmem>>[vector<16xi32>], vector<16xf32>,
    %add3A_142 = arith.constant 74 : i32
    %add3A_143 = vector.broadcast %add3A_142 : i32 to vector<16xi32>
    %add3A_144 = arith.addi %iota3A, %add3A_143 : vector<16xi32>
    %gather3A_145 = tpu.vector_load_idx %arg13[%add3A_144] : memref<128xf32, #tpu.memory_space<vmem>>[vector<16xi32>], vector<16xf32>,
    %add3A_146 = arith.constant 106 : i32
    %add3A_147 = vector.broadcast %add3A_146 : i32 to vector<16xi32>
    %add3A_148 = arith.addi %iota3A, %add3A_147 : vector<16xi32>
    %gather3A_149 = tpu.vector_load_idx %arg13[%add3A_148] : memref<128xf32, #tpu.memory_space<vmem>>[vector<16xi32>], vector<16xf32>,
    %mul3A_150 = arith.mulf %gather3A, %mul3A_115 : vector<16xf32>
    %mul3A_151 = arith.mulf %gather3A_125, %mul3A_116 : vector<16xf32>
    %add3A_152 = arith.addf %mul3A_150, %mul3A_151 : vector<16xf32>
    %mul3A_153 = arith.mulf %gather3A_129, %mul3A_117 : vector<16xf32>
    %add3A_154 = arith.addf %add3A_152, %mul3A_153 : vector<16xf32>
    %mul3A_155 = arith.mulf %gather3A_133, %mul3A_118 : vector<16xf32>
    %add3A_156 = arith.addf %add3A_154, %mul3A_155 : vector<16xf32>
    %sub3A = arith.subf %gather3A_137, %gather3A : vector<16xf32>
    %mul3A_157 = arith.mulf %sub3A, %mul3A_115 : vector<16xf32>
    %sub3A_158 = arith.subf %gather3A_141, %gather3A_125 : vector<16xf32>
    %mul3A_159 = arith.mulf %sub3A_158, %mul3A_116 : vector<16xf32>
    %sub3A_160 = arith.subf %gather3A_145, %gather3A_129 : vector<16xf32>
    %mul3A_161 = arith.mulf %sub3A_160, %mul3A_117 : vector<16xf32>
    %sub3A_162 = arith.subf %gather3A_149, %gather3A_133 : vector<16xf32>
    %mul3A_163 = arith.mulf %sub3A_162, %mul3A_118 : vector<16xf32>
    %slice3A = vector.extract_strided_slice %add3A_156 {offsets = [0], sizes = [1], strides = [1]} : vector<16xf32> to vector<1xf32>
    %squeeze3A = vector.extract %slice3A[0] : f32 from vector<1xf32>
    %slice3A_164 = vector.extract_strided_slice %add3A_156 {offsets = [1], sizes = [1], strides = [1]} : vector<16xf32> to vector<1xf32>
    %squeeze3A_165 = vector.extract %slice3A_164[0] : f32 from vector<1xf32>
    %slice3A_166 = vector.extract_strided_slice %add3A_156 {offsets = [2], sizes = [1], strides = [1]} : vector<16xf32> to vector<1xf32>
    %squeeze3A_167 = vector.extract %slice3A_166[0] : f32 from vector<1xf32>
    %slice3A_168 = vector.extract_strided_slice %add3A_156 {offsets = [3], sizes = [1], strides = [1]} : vector<16xf32> to vector<1xf32>
    %squeeze3A_169 = vector.extract %slice3A_168[0] : f32 from vector<1xf32>
    %slice3A_170 = vector.extract_strided_slice %add3A_156 {offsets = [4], sizes = [1], strides = [1]} : vector<16xf32> to vector<1xf32>
    %squeeze3A_171 = vector.extract %slice3A_170[0] : f32 from vector<1xf32>
    %slice3A_172 = vector.extract_strided_slice %add3A_156 {offsets = [5], sizes = [1], strides = [1]} : vector<16xf32> to vector<1xf32>
    %squeeze3A_173 = vector.extract %slice3A_172[0] : f32 from vector<1xf32>
    %slice3A_174 = vector.extract_strided_slice %add3A_156 {offsets = [6], sizes = [1], strides = [1]} : vector<16xf32> to vector<1xf32>
    %squeeze3A_175 = vector.extract %slice3A_174[0] : f32 from vector<1xf32>
    %slice3A_176 = vector.extract_strided_slice %add3A_156 {offsets = [7], sizes = [1], strides = [1]} : vector<16xf32> to vector<1xf32>
    %squeeze3A_177 = vector.extract %slice3A_176[0] : f32 from vector<1xf32>
    %slice3A_178 = vector.extract_strided_slice %add3A_156 {offsets = [8], sizes = [1], strides = [1]} : vector<16xf32> to vector<1xf32>
    %squeeze3A_179 = vector.extract %slice3A_178[0] : f32 from vector<1xf32>
    %slice3A_180 = vector.extract_strided_slice %add3A_156 {offsets = [9], sizes = [1], strides = [1]} : vector<16xf32> to vector<1xf32>
    %squeeze3A_181 = vector.extract %slice3A_180[0] : f32 from vector<1xf32>
    %slice3A_182 = vector.extract_strided_slice %mul3A_157 {offsets = [0], sizes = [1], strides = [1]} : vector<16xf32> to vector<1xf32>
    %squeeze3A_183 = vector.extract %slice3A_182[0] : f32 from vector<1xf32>
    %slice3A_184 = vector.extract_strided_slice %mul3A_159 {offsets = [0], sizes = [1], strides = [1]} : vector<16xf32> to vector<1xf32>
    %squeeze3A_185 = vector.extract %slice3A_184[0] : f32 from vector<1xf32>
    %slice3A_186 = vector.extract_strided_slice %mul3A_161 {offsets = [0], sizes = [1], strides = [1]} : vector<16xf32> to vector<1xf32>
    %squeeze3A_187 = vector.extract %slice3A_186[0] : f32 from vector<1xf32>
    %slice3A_188 = vector.extract_strided_slice %mul3A_163 {offsets = [0], sizes = [1], strides = [1]} : vector<16xf32> to vector<1xf32>
    %squeeze3A_189 = vector.extract %slice3A_188[0] : f32 from vector<1xf32>
    %slice3A_190 = vector.extract_strided_slice %mul3A_157 {offsets = [1], sizes = [1], strides = [1]} : vector<16xf32> to vector<1xf32>
    %squeeze3A_191 = vector.extract %slice3A_190[0] : f32 from vector<1xf32>
    %slice3A_192 = vector.extract_strided_slice %mul3A_159 {offsets = [1], sizes = [1], strides = [1]} : vector<16xf32> to vector<1xf32>
    %squeeze3A_193 = vector.extract %slice3A_192[0] : f32 from vector<1xf32>
    %slice3A_194 = vector.extract_strided_slice %mul3A_161 {offsets = [1], sizes = [1], strides = [1]} : vector<16xf32> to vector<1xf32>
    %squeeze3A_195 = vector.extract %slice3A_194[0] : f32 from vector<1xf32>
    %slice3A_196 = vector.extract_strided_slice %mul3A_163 {offsets = [1], sizes = [1], strides = [1]} : vector<16xf32> to vector<1xf32>
    %squeeze3A_197 = vector.extract %slice3A_196[0] : f32 from vector<1xf32>
    %slice3A_198 = vector.extract_strided_slice %mul3A_157 {offsets = [2], sizes = [1], strides = [1]} : vector<16xf32> to vector<1xf32>
    %squeeze3A_199 = vector.extract %slice3A_198[0] : f32 from vector<1xf32>
    %slice3A_200 = vector.extract_strided_slice %mul3A_159 {offsets = [2], sizes = [1], strides = [1]} : vector<16xf32> to vector<1xf32>
    %squeeze3A_201 = vector.extract %slice3A_200[0] : f32 from vector<1xf32>
    %slice3A_202 = vector.extract_strided_slice %mul3A_161 {offsets = [2], sizes = [1], strides = [1]} : vector<16xf32> to vector<1xf32>
    %squeeze3A_203 = vector.extract %slice3A_202[0] : f32 from vector<1xf32>
    %slice3A_204 = vector.extract_strided_slice %mul3A_163 {offsets = [2], sizes = [1], strides = [1]} : vector<16xf32> to vector<1xf32>
    %squeeze3A_205 = vector.extract %slice3A_204[0] : f32 from vector<1xf32>
    %slice3A_206 = vector.extract_strided_slice %mul3A_157 {offsets = [3], sizes = [1], strides = [1]} : vector<16xf32> to vector<1xf32>
    %squeeze3A_207 = vector.extract %slice3A_206[0] : f32 from vector<1xf32>
    %slice3A_208 = vector.extract_strided_slice %mul3A_159 {offsets = [3], sizes = [1], strides = [1]} : vector<16xf32> to vector<1xf32>
    %squeeze3A_209 = vector.extract %slice3A_208[0] : f32 from vector<1xf32>
    %slice3A_210 = vector.extract_strided_slice %mul3A_161 {offsets = [3], sizes = [1], strides = [1]} : vector<16xf32> to vector<1xf32>
    %squeeze3A_211 = vector.extract %slice3A_210[0] : f32 from vector<1xf32>
    %slice3A_212 = vector.extract_strided_slice %mul3A_163 {offsets = [3], sizes = [1], strides = [1]} : vector<16xf32> to vector<1xf32>
    %squeeze3A_213 = vector.extract %slice3A_212[0] : f32 from vector<1xf32>
    %slice3A_214 = vector.extract_strided_slice %mul3A_157 {offsets = [4], sizes = [1], strides = [1]} : vector<16xf32> to vector<1xf32>
    %squeeze3A_215 = vector.extract %slice3A_214[0] : f32 from vector<1xf32>
    %slice3A_216 = vector.extract_strided_slice %mul3A_159 {offsets = [4], sizes = [1], strides = [1]} : vector<16xf32> to vector<1xf32>
    %squeeze3A_217 = vector.extract %slice3A_216[0] : f32 from vector<1xf32>
    %slice3A_218 = vector.extract_strided_slice %mul3A_161 {offsets = [4], sizes = [1], strides = [1]} : vector<16xf32> to vector<1xf32>
    %squeeze3A_219 = vector.extract %slice3A_218[0] : f32 from vector<1xf32>
    %slice3A_220 = vector.extract_strided_slice %mul3A_163 {offsets = [4], sizes = [1], strides = [1]} : vector<16xf32> to vector<1xf32>
    %squeeze3A_221 = vector.extract %slice3A_220[0] : f32 from vector<1xf32>
    %slice3A_222 = vector.extract_strided_slice %mul3A_157 {offsets = [5], sizes = [1], strides = [1]} : vector<16xf32> to vector<1xf32>
    %squeeze3A_223 = vector.extract %slice3A_222[0] : f32 from vector<1xf32>
    %slice3A_224 = vector.extract_strided_slice %mul3A_159 {offsets = [5], sizes = [1], strides = [1]} : vector<16xf32> to vector<1xf32>
    %squeeze3A_225 = vector.extract %slice3A_224[0] : f32 from vector<1xf32>
    %slice3A_226 = vector.extract_strided_slice %mul3A_161 {offsets = [5], sizes = [1], strides = [1]} : vector<16xf32> to vector<1xf32>
    %squeeze3A_227 = vector.extract %slice3A_226[0] : f32 from vector<1xf32>
    %slice3A_228 = vector.extract_strided_slice %mul3A_163 {offsets = [5], sizes = [1], strides = [1]} : vector<16xf32> to vector<1xf32>
    %squeeze3A_229 = vector.extract %slice3A_228[0] : f32 from vector<1xf32>
    %slice3A_230 = vector.extract_strided_slice %mul3A_157 {offsets = [6], sizes = [1], strides = [1]} : vector<16xf32> to vector<1xf32>
    %squeeze3A_231 = vector.extract %slice3A_230[0] : f32 from vector<1xf32>
    %slice3A_232 = vector.extract_strided_slice %mul3A_159 {offsets = [6], sizes = [1], strides = [1]} : vector<16xf32> to vector<1xf32>
    %squeeze3A_233 = vector.extract %slice3A_232[0] : f32 from vector<1xf32>
    %slice3A_234 = vector.extract_strided_slice %mul3A_161 {offsets = [6], sizes = [1], strides = [1]} : vector<16xf32> to vector<1xf32>
    %squeeze3A_235 = vector.extract %slice3A_234[0] : f32 from vector<1xf32>
    %slice3A_236 = vector.extract_strided_slice %mul3A_163 {offsets = [6], sizes = [1], strides = [1]} : vector<16xf32> to vector<1xf32>
    %squeeze3A_237 = vector.extract %slice3A_236[0] : f32 from vector<1xf32>
    %slice3A_238 = vector.extract_strided_slice %mul3A_157 {offsets = [7], sizes = [1], strides = [1]} : vector<16xf32> to vector<1xf32>
    %squeeze3A_239 = vector.extract %slice3A_238[0] : f32 from vector<1xf32>
    %slice3A_240 = vector.extract_strided_slice %mul3A_159 {offsets = [7], sizes = [1], strides = [1]} : vector<16xf32> to vector<1xf32>
    %squeeze3A_241 = vector.extract %slice3A_240[0] : f32 from vector<1xf32>
    %slice3A_242 = vector.extract_strided_slice %mul3A_161 {offsets = [7], sizes = [1], strides = [1]} : vector<16xf32> to vector<1xf32>
    %squeeze3A_243 = vector.extract %slice3A_242[0] : f32 from vector<1xf32>
    %slice3A_244 = vector.extract_strided_slice %mul3A_163 {offsets = [7], sizes = [1], strides = [1]} : vector<16xf32> to vector<1xf32>
    %squeeze3A_245 = vector.extract %slice3A_244[0] : f32 from vector<1xf32>
    %slice3A_246 = vector.extract_strided_slice %mul3A_157 {offsets = [8], sizes = [1], strides = [1]} : vector<16xf32> to vector<1xf32>
    %squeeze3A_247 = vector.extract %slice3A_246[0] : f32 from vector<1xf32>
    %slice3A_248 = vector.extract_strided_slice %mul3A_159 {offsets = [8], sizes = [1], strides = [1]} : vector<16xf32> to vector<1xf32>
    %squeeze3A_249 = vector.extract %slice3A_248[0] : f32 from vector<1xf32>
    %slice3A_250 = vector.extract_strided_slice %mul3A_161 {offsets = [8], sizes = [1], strides = [1]} : vector<16xf32> to vector<1xf32>
    %squeeze3A_251 = vector.extract %slice3A_250[0] : f32 from vector<1xf32>
    %slice3A_252 = vector.extract_strided_slice %mul3A_163 {offsets = [8], sizes = [1], strides = [1]} : vector<16xf32> to vector<1xf32>
    %squeeze3A_253 = vector.extract %slice3A_252[0] : f32 from vector<1xf32>
    %slice3A_254 = vector.extract_strided_slice %mul3A_157 {offsets = [9], sizes = [1], strides = [1]} : vector<16xf32> to vector<1xf32>
    %squeeze3A_255 = vector.extract %slice3A_254[0] : f32 from vector<1xf32>
    %slice3A_256 = vector.extract_strided_slice %mul3A_159 {offsets = [9], sizes = [1], strides = [1]} : vector<16xf32> to vector<1xf32>
    %squeeze3A_257 = vector.extract %slice3A_256[0] : f32 from vector<1xf32>
    %slice3A_258 = vector.extract_strided_slice %mul3A_161 {offsets = [9], sizes = [1], strides = [1]} : vector<16xf32> to vector<1xf32>
    %squeeze3A_259 = vector.extract %slice3A_258[0] : f32 from vector<1xf32>
    %slice3A_260 = vector.extract_strided_slice %mul3A_163 {offsets = [9], sizes = [1], strides = [1]} : vector<16xf32> to vector<1xf32>
    %squeeze3A_261 = vector.extract %slice3A_260[0] : f32 from vector<1xf32>
    %mul3A_262 = arith.constant 6 : i32
    %mul3A_263 = vector.broadcast %mul3A_262 : i32 to vector<16xi32>
    %mul3A_264 = arith.muli %iota3A, %mul3A_263 : vector<16xi32>
    %mul3A_265 = arith.constant 10 : i32
    %mul3A_266 = vector.broadcast %mul3A_265 : i32 to vector<16xi32>
    %mul3A_267 = arith.muli %iota3A, %mul3A_266 : vector<16xi32>
    %scan3A = arith.constant 0 : i32
    %scan3A_268 = arith.constant 0 : i32
    %scan3A_269 = arith.constant 16 : i32
    %scan3A_270 = arith.addi %scan3A_268, %scan3A_269 : i32
    %scan3A_271 = arith.constant 1 : i32
    scf.for %scan3A_275 = %scan3A_268 to %scan3A_270 step %scan3A_271  : i32 {
      %mul3A_276 = arith.constant 4 : i32
      %mul3A_277 = arith.muli %scan3A_275, %mul3A_276 : i32
      %add3A_278 = arith.constant 0 : i32
      %add3A_279 = arith.addi %mul3A_277, %add3A_278 : i32
      %mul3A_280 = arith.constant 16 : i32
      %mul3A_281 = arith.muli %add3A_279, %mul3A_280 : i32
      %mul3A_282 = arith.constant 6 : i32
      %mul3A_283 = arith.muli %mul3A_281, %mul3A_282 : i32
      %add3A_284 = arith.constant 3 : i32
      %add3A_285 = arith.addi %mul3A_283, %add3A_284 : i32
      %add3A_286 = vector.broadcast %add3A_285 : i32 to vector<16xi32>
      %add3A_287 = arith.addi %mul3A_264, %add3A_286 : vector<16xi32>
      %gather3A_288 = tpu.vector_load_idx %arg12[%add3A_287] : memref<6144xi32, #tpu.memory_space<vmem>>[vector<16xi32>], vector<16xi32>,
      %convert_element_type3A = arith.sitofp %gather3A_288 : vector<16xi32> to vector<16xf32>
      %add3A_289 = arith.constant 2 : i32
      %add3A_290 = arith.addi %mul3A_283, %add3A_289 : i32
      %add3A_291 = vector.broadcast %add3A_290 : i32 to vector<16xi32>
      %add3A_292 = arith.addi %mul3A_264, %add3A_291 : vector<16xi32>
      %gather3A_293 = tpu.vector_load_idx %arg12[%add3A_292] : memref<6144xi32, #tpu.memory_space<vmem>>[vector<16xi32>], vector<16xi32>,
      %convert_element_type3A_294 = arith.sitofp %gather3A_293 : vector<16xi32> to vector<16xf32>
      %add3A_295 = arith.constant 4 : i32
      %add3A_296 = arith.addi %mul3A_283, %add3A_295 : i32
      %add3A_297 = vector.broadcast %add3A_296 : i32 to vector<16xi32>
      %add3A_298 = arith.addi %mul3A_264, %add3A_297 : vector<16xi32>
      %gather3A_299 = tpu.vector_load_idx %arg12[%add3A_298] : memref<6144xi32, #tpu.memory_space<vmem>>[vector<16xi32>], vector<16xi32>,
      %convert_element_type3A_300 = arith.sitofp %gather3A_299 : vector<16xi32> to vector<16xf32>
      %add3A_301 = arith.constant 5 : i32
      %add3A_302 = arith.addi %mul3A_283, %add3A_301 : i32
      %add3A_303 = vector.broadcast %add3A_302 : i32 to vector<16xi32>
      %add3A_304 = arith.addi %mul3A_264, %add3A_303 : vector<16xi32>
      %gather3A_305 = tpu.vector_load_idx %arg12[%add3A_304] : memref<6144xi32, #tpu.memory_space<vmem>>[vector<16xi32>], vector<16xi32>,
      %convert_element_type3A_306 = arith.sitofp %gather3A_305 : vector<16xi32> to vector<16xf32>
      %mul3A_307 = arith.constant 10 : i32
      %mul3A_308 = arith.muli %mul3A_281, %mul3A_307 : i32
      %add3A_309 = vector.broadcast %mul3A_308 : i32 to vector<16xi32>
      %add3A_310 = arith.addi %add3A_309, %mul3A_267 : vector<16xi32>
      %mul3A_311 = vector.broadcast %squeeze3A_183 : f32 to vector<16xf32>
      %mul3A_312 = arith.mulf %convert_element_type3A, %mul3A_311 : vector<16xf32>
      %add3A_313 = vector.broadcast %squeeze3A : f32 to vector<16xf32>
      %add3A_314 = arith.addf %add3A_313, %mul3A_312 : vector<16xf32>
      %mul3A_315 = vector.broadcast %squeeze3A_185 : f32 to vector<16xf32>
      %mul3A_316 = arith.mulf %convert_element_type3A_294, %mul3A_315 : vector<16xf32>
      %add3A_317 = arith.addf %add3A_314, %mul3A_316 : vector<16xf32>
      %mul3A_318 = vector.broadcast %squeeze3A_187 : f32 to vector<16xf32>
      %mul3A_319 = arith.mulf %convert_element_type3A_300, %mul3A_318 : vector<16xf32>
      %add3A_320 = arith.addf %add3A_317, %mul3A_319 : vector<16xf32>
      %mul3A_321 = vector.broadcast %squeeze3A_189 : f32 to vector<16xf32>
      %mul3A_322 = arith.mulf %convert_element_type3A_306, %mul3A_321 : vector<16xf32>
      %add3A_323 = arith.addf %add3A_320, %mul3A_322 : vector<16xf32>
      %add3A_324 = arith.constant 0 : i32
      %add3A_325 = vector.broadcast %add3A_324 : i32 to vector<16xi32>
      %add3A_326 = arith.addi %add3A_310, %add3A_325 : vector<16xi32>
      tpu.vector_store_idx %arg15[%add3A_326], %add3A_323 : memref<10240xf32, #tpu.memory_space<vmem>>[vector<16xi32>], vector<16xf32>,
      %mul3A_327 = vector.broadcast %squeeze3A_191 : f32 to vector<16xf32>
      %mul3A_328 = arith.mulf %convert_element_type3A, %mul3A_327 : vector<16xf32>
      %add3A_329 = vector.broadcast %squeeze3A_165 : f32 to vector<16xf32>
      %add3A_330 = arith.addf %add3A_329, %mul3A_328 : vector<16xf32>
      %mul3A_331 = vector.broadcast %squeeze3A_193 : f32 to vector<16xf32>
      %mul3A_332 = arith.mulf %convert_element_type3A_294, %mul3A_331 : vector<16xf32>
      %add3A_333 = arith.addf %add3A_330, %mul3A_332 : vector<16xf32>
      %mul3A_334 = vector.broadcast %squeeze3A_195 : f32 to vector<16xf32>
      %mul3A_335 = arith.mulf %convert_element_type3A_300, %mul3A_334 : vector<16xf32>
      %add3A_336 = arith.addf %add3A_333, %mul3A_335 : vector<16xf32>
      %mul3A_337 = vector.broadcast %squeeze3A_197 : f32 to vector<16xf32>
      %mul3A_338 = arith.mulf %convert_element_type3A_306, %mul3A_337 : vector<16xf32>
      %add3A_339 = arith.addf %add3A_336, %mul3A_338 : vector<16xf32>
      %add3A_340 = arith.constant 1 : i32
      %add3A_341 = vector.broadcast %add3A_340 : i32 to vector<16xi32>
      %add3A_342 = arith.addi %add3A_310, %add3A_341 : vector<16xi32>
      tpu.vector_store_idx %arg15[%add3A_342], %add3A_339 : memref<10240xf32, #tpu.memory_space<vmem>>[vector<16xi32>], vector<16xf32>,
      %mul3A_343 = vector.broadcast %squeeze3A_199 : f32 to vector<16xf32>
      %mul3A_344 = arith.mulf %convert_element_type3A, %mul3A_343 : vector<16xf32>
      %add3A_345 = vector.broadcast %squeeze3A_167 : f32 to vector<16xf32>
      %add3A_346 = arith.addf %add3A_345, %mul3A_344 : vector<16xf32>
      %mul3A_347 = vector.broadcast %squeeze3A_201 : f32 to vector<16xf32>
      %mul3A_348 = arith.mulf %convert_element_type3A_294, %mul3A_347 : vector<16xf32>
      %add3A_349 = arith.addf %add3A_346, %mul3A_348 : vector<16xf32>
      %mul3A_350 = vector.broadcast %squeeze3A_203 : f32 to vector<16xf32>
      %mul3A_351 = arith.mulf %convert_element_type3A_300, %mul3A_350 : vector<16xf32>
      %add3A_352 = arith.addf %add3A_349, %mul3A_351 : vector<16xf32>
      %mul3A_353 = vector.broadcast %squeeze3A_205 : f32 to vector<16xf32>
      %mul3A_354 = arith.mulf %convert_element_type3A_306, %mul3A_353 : vector<16xf32>
      %add3A_355 = arith.addf %add3A_352, %mul3A_354 : vector<16xf32>
      %add3A_356 = arith.constant 2 : i32
      %add3A_357 = vector.broadcast %add3A_356 : i32 to vector<16xi32>
      %add3A_358 = arith.addi %add3A_310, %add3A_357 : vector<16xi32>
      tpu.vector_store_idx %arg15[%add3A_358], %add3A_355 : memref<10240xf32, #tpu.memory_space<vmem>>[vector<16xi32>], vector<16xf32>,
      %mul3A_359 = vector.broadcast %squeeze3A_207 : f32 to vector<16xf32>
      %mul3A_360 = arith.mulf %convert_element_type3A, %mul3A_359 : vector<16xf32>
      %add3A_361 = vector.broadcast %squeeze3A_169 : f32 to vector<16xf32>
      %add3A_362 = arith.addf %add3A_361, %mul3A_360 : vector<16xf32>
      %mul3A_363 = vector.broadcast %squeeze3A_209 : f32 to vector<16xf32>
      %mul3A_364 = arith.mulf %convert_element_type3A_294, %mul3A_363 : vector<16xf32>
      %add3A_365 = arith.addf %add3A_362, %mul3A_364 : vector<16xf32>
      %mul3A_366 = vector.broadcast %squeeze3A_211 : f32 to vector<16xf32>
      %mul3A_367 = arith.mulf %convert_element_type3A_300, %mul3A_366 : vector<16xf32>
      %add3A_368 = arith.addf %add3A_365, %mul3A_367 : vector<16xf32>
      %mul3A_369 = vector.broadcast %squeeze3A_213 : f32 to vector<16xf32>
      %mul3A_370 = arith.mulf %convert_element_type3A_306, %mul3A_369 : vector<16xf32>
      %add3A_371 = arith.addf %add3A_368, %mul3A_370 : vector<16xf32>
      %add3A_372 = arith.constant 3 : i32
      %add3A_373 = vector.broadcast %add3A_372 : i32 to vector<16xi32>
      %add3A_374 = arith.addi %add3A_310, %add3A_373 : vector<16xi32>
      tpu.vector_store_idx %arg15[%add3A_374], %add3A_371 : memref<10240xf32, #tpu.memory_space<vmem>>[vector<16xi32>], vector<16xf32>,
      %mul3A_375 = vector.broadcast %squeeze3A_215 : f32 to vector<16xf32>
      %mul3A_376 = arith.mulf %convert_element_type3A, %mul3A_375 : vector<16xf32>
      %add3A_377 = vector.broadcast %squeeze3A_171 : f32 to vector<16xf32>
      %add3A_378 = arith.addf %add3A_377, %mul3A_376 : vector<16xf32>
      %mul3A_379 = vector.broadcast %squeeze3A_217 : f32 to vector<16xf32>
      %mul3A_380 = arith.mulf %convert_element_type3A_294, %mul3A_379 : vector<16xf32>
      %add3A_381 = arith.addf %add3A_378, %mul3A_380 : vector<16xf32>
      %mul3A_382 = vector.broadcast %squeeze3A_219 : f32 to vector<16xf32>
      %mul3A_383 = arith.mulf %convert_element_type3A_300, %mul3A_382 : vector<16xf32>
      %add3A_384 = arith.addf %add3A_381, %mul3A_383 : vector<16xf32>
      %mul3A_385 = vector.broadcast %squeeze3A_221 : f32 to vector<16xf32>
      %mul3A_386 = arith.mulf %convert_element_type3A_306, %mul3A_385 : vector<16xf32>
      %add3A_387 = arith.addf %add3A_384, %mul3A_386 : vector<16xf32>
      %add3A_388 = arith.constant 4 : i32
      %add3A_389 = vector.broadcast %add3A_388 : i32 to vector<16xi32>
      %add3A_390 = arith.addi %add3A_310, %add3A_389 : vector<16xi32>
      tpu.vector_store_idx %arg15[%add3A_390], %add3A_387 : memref<10240xf32, #tpu.memory_space<vmem>>[vector<16xi32>], vector<16xf32>,
      %mul3A_391 = vector.broadcast %squeeze3A_223 : f32 to vector<16xf32>
      %mul3A_392 = arith.mulf %convert_element_type3A, %mul3A_391 : vector<16xf32>
      %add3A_393 = vector.broadcast %squeeze3A_173 : f32 to vector<16xf32>
      %add3A_394 = arith.addf %add3A_393, %mul3A_392 : vector<16xf32>
      %mul3A_395 = vector.broadcast %squeeze3A_225 : f32 to vector<16xf32>
      %mul3A_396 = arith.mulf %convert_element_type3A_294, %mul3A_395 : vector<16xf32>
      %add3A_397 = arith.addf %add3A_394, %mul3A_396 : vector<16xf32>
      %mul3A_398 = vector.broadcast %squeeze3A_227 : f32 to vector<16xf32>
      %mul3A_399 = arith.mulf %convert_element_type3A_300, %mul3A_398 : vector<16xf32>
      %add3A_400 = arith.addf %add3A_397, %mul3A_399 : vector<16xf32>
      %mul3A_401 = vector.broadcast %squeeze3A_229 : f32 to vector<16xf32>
      %mul3A_402 = arith.mulf %convert_element_type3A_306, %mul3A_401 : vector<16xf32>
      %add3A_403 = arith.addf %add3A_400, %mul3A_402 : vector<16xf32>
      %add3A_404 = arith.constant 5 : i32
      %add3A_405 = vector.broadcast %add3A_404 : i32 to vector<16xi32>
      %add3A_406 = arith.addi %add3A_310, %add3A_405 : vector<16xi32>
      tpu.vector_store_idx %arg15[%add3A_406], %add3A_403 : memref<10240xf32, #tpu.memory_space<vmem>>[vector<16xi32>], vector<16xf32>,
      %mul3A_407 = vector.broadcast %squeeze3A_231 : f32 to vector<16xf32>
      %mul3A_408 = arith.mulf %convert_element_type3A, %mul3A_407 : vector<16xf32>
      %add3A_409 = vector.broadcast %squeeze3A_175 : f32 to vector<16xf32>
      %add3A_410 = arith.addf %add3A_409, %mul3A_408 : vector<16xf32>
      %mul3A_411 = vector.broadcast %squeeze3A_233 : f32 to vector<16xf32>
      %mul3A_412 = arith.mulf %convert_element_type3A_294, %mul3A_411 : vector<16xf32>
      %add3A_413 = arith.addf %add3A_410, %mul3A_412 : vector<16xf32>
      %mul3A_414 = vector.broadcast %squeeze3A_235 : f32 to vector<16xf32>
      %mul3A_415 = arith.mulf %convert_element_type3A_300, %mul3A_414 : vector<16xf32>
      %add3A_416 = arith.addf %add3A_413, %mul3A_415 : vector<16xf32>
      %mul3A_417 = vector.broadcast %squeeze3A_237 : f32 to vector<16xf32>
      %mul3A_418 = arith.mulf %convert_element_type3A_306, %mul3A_417 : vector<16xf32>
      %add3A_419 = arith.addf %add3A_416, %mul3A_418 : vector<16xf32>
      %add3A_420 = arith.constant 6 : i32
      %add3A_421 = vector.broadcast %add3A_420 : i32 to vector<16xi32>
      %add3A_422 = arith.addi %add3A_310, %add3A_421 : vector<16xi32>
      tpu.vector_store_idx %arg15[%add3A_422], %add3A_419 : memref<10240xf32, #tpu.memory_space<vmem>>[vector<16xi32>], vector<16xf32>,
      %mul3A_423 = vector.broadcast %squeeze3A_239 : f32 to vector<16xf32>
      %mul3A_424 = arith.mulf %convert_element_type3A, %mul3A_423 : vector<16xf32>
      %add3A_425 = vector.broadcast %squeeze3A_177 : f32 to vector<16xf32>
      %add3A_426 = arith.addf %add3A_425, %mul3A_424 : vector<16xf32>
      %mul3A_427 = vector.broadcast %squeeze3A_241 : f32 to vector<16xf32>
      %mul3A_428 = arith.mulf %convert_element_type3A_294, %mul3A_427 : vector<16xf32>
      %add3A_429 = arith.addf %add3A_426, %mul3A_428 : vector<16xf32>
      %mul3A_430 = vector.broadcast %squeeze3A_243 : f32 to vector<16xf32>
      %mul3A_431 = arith.mulf %convert_element_type3A_300, %mul3A_430 : vector<16xf32>
      %add3A_432 = arith.addf %add3A_429, %mul3A_431 : vector<16xf32>
      %mul3A_433 = vector.broadcast %squeeze3A_245 : f32 to vector<16xf32>
      %mul3A_434 = arith.mulf %convert_element_type3A_306, %mul3A_433 : vector<16xf32>
      %add3A_435 = arith.addf %add3A_432, %mul3A_434 : vector<16xf32>
      %add3A_436 = arith.constant 7 : i32
      %add3A_437 = vector.broadcast %add3A_436 : i32 to vector<16xi32>
      %add3A_438 = arith.addi %add3A_310, %add3A_437 : vector<16xi32>
      tpu.vector_store_idx %arg15[%add3A_438], %add3A_435 : memref<10240xf32, #tpu.memory_space<vmem>>[vector<16xi32>], vector<16xf32>,
      %mul3A_439 = vector.broadcast %squeeze3A_247 : f32 to vector<16xf32>
      %mul3A_440 = arith.mulf %convert_element_type3A, %mul3A_439 : vector<16xf32>
      %add3A_441 = vector.broadcast %squeeze3A_179 : f32 to vector<16xf32>
      %add3A_442 = arith.addf %add3A_441, %mul3A_440 : vector<16xf32>
      %mul3A_443 = vector.broadcast %squeeze3A_249 : f32 to vector<16xf32>
      %mul3A_444 = arith.mulf %convert_element_type3A_294, %mul3A_443 : vector<16xf32>
      %add3A_445 = arith.addf %add3A_442, %mul3A_444 : vector<16xf32>
      %mul3A_446 = vector.broadcast %squeeze3A_251 : f32 to vector<16xf32>
      %mul3A_447 = arith.mulf %convert_element_type3A_300, %mul3A_446 : vector<16xf32>
      %add3A_448 = arith.addf %add3A_445, %mul3A_447 : vector<16xf32>
      %mul3A_449 = vector.broadcast %squeeze3A_253 : f32 to vector<16xf32>
      %mul3A_450 = arith.mulf %convert_element_type3A_306, %mul3A_449 : vector<16xf32>
      %add3A_451 = arith.addf %add3A_448, %mul3A_450 : vector<16xf32>
      %add3A_452 = arith.constant 8 : i32
      %add3A_453 = vector.broadcast %add3A_452 : i32 to vector<16xi32>
      %add3A_454 = arith.addi %add3A_310, %add3A_453 : vector<16xi32>
      tpu.vector_store_idx %arg15[%add3A_454], %add3A_451 : memref<10240xf32, #tpu.memory_space<vmem>>[vector<16xi32>], vector<16xf32>,
      %mul3A_455 = vector.broadcast %squeeze3A_255 : f32 to vector<16xf32>
      %mul3A_456 = arith.mulf %convert_element_type3A, %mul3A_455 : vector<16xf32>
      %add3A_457 = vector.broadcast %squeeze3A_181 : f32 to vector<16xf32>
      %add3A_458 = arith.addf %add3A_457, %mul3A_456 : vector<16xf32>
      %mul3A_459 = vector.broadcast %squeeze3A_257 : f32 to vector<16xf32>
      %mul3A_460 = arith.mulf %convert_element_type3A_294, %mul3A_459 : vector<16xf32>
      %add3A_461 = arith.addf %add3A_458, %mul3A_460 : vector<16xf32>
      %mul3A_462 = vector.broadcast %squeeze3A_259 : f32 to vector<16xf32>
      %mul3A_463 = arith.mulf %convert_element_type3A_300, %mul3A_462 : vector<16xf32>
      %add3A_464 = arith.addf %add3A_461, %mul3A_463 : vector<16xf32>
      %mul3A_465 = vector.broadcast %squeeze3A_261 : f32 to vector<16xf32>
      %mul3A_466 = arith.mulf %convert_element_type3A_306, %mul3A_465 : vector<16xf32>
      %add3A_467 = arith.addf %add3A_464, %mul3A_466 : vector<16xf32>
      %add3A_468 = arith.constant 9 : i32
      %add3A_469 = vector.broadcast %add3A_468 : i32 to vector<16xi32>
      %add3A_470 = arith.addi %add3A_310, %add3A_469 : vector<16xi32>
      tpu.vector_store_idx %arg15[%add3A_470], %add3A_467 : memref<10240xf32, #tpu.memory_space<vmem>>[vector<16xi32>], vector<16xf32>,
      %mul3A_471 = arith.constant 4 : i32
      %mul3A_472 = arith.muli %scan3A_275, %mul3A_471 : i32
      %add3A_473 = arith.constant 1 : i32
      %add3A_474 = arith.addi %mul3A_472, %add3A_473 : i32
      %mul3A_475 = arith.constant 16 : i32
      %mul3A_476 = arith.muli %add3A_474, %mul3A_475 : i32
      %mul3A_477 = arith.constant 6 : i32
      %mul3A_478 = arith.muli %mul3A_476, %mul3A_477 : i32
      %add3A_479 = arith.constant 3 : i32
      %add3A_480 = arith.addi %mul3A_478, %add3A_479 : i32
      %add3A_481 = vector.broadcast %add3A_480 : i32 to vector<16xi32>
      %add3A_482 = arith.addi %mul3A_264, %add3A_481 : vector<16xi32>
      %gather3A_483 = tpu.vector_load_idx %arg12[%add3A_482] : memref<6144xi32, #tpu.memory_space<vmem>>[vector<16xi32>], vector<16xi32>,
      %convert_element_type3A_484 = arith.sitofp %gather3A_483 : vector<16xi32> to vector<16xf32>
      %add3A_485 = arith.constant 2 : i32
      %add3A_486 = arith.addi %mul3A_478, %add3A_485 : i32
      %add3A_487 = vector.broadcast %add3A_486 : i32 to vector<16xi32>
      %add3A_488 = arith.addi %mul3A_264, %add3A_487 : vector<16xi32>
      %gather3A_489 = tpu.vector_load_idx %arg12[%add3A_488] : memref<6144xi32, #tpu.memory_space<vmem>>[vector<16xi32>], vector<16xi32>,
      %convert_element_type3A_490 = arith.sitofp %gather3A_489 : vector<16xi32> to vector<16xf32>
      %add3A_491 = arith.constant 4 : i32
      %add3A_492 = arith.addi %mul3A_478, %add3A_491 : i32
      %add3A_493 = vector.broadcast %add3A_492 : i32 to vector<16xi32>
      %add3A_494 = arith.addi %mul3A_264, %add3A_493 : vector<16xi32>
      %gather3A_495 = tpu.vector_load_idx %arg12[%add3A_494] : memref<6144xi32, #tpu.memory_space<vmem>>[vector<16xi32>], vector<16xi32>,
      %convert_element_type3A_496 = arith.sitofp %gather3A_495 : vector<16xi32> to vector<16xf32>
      %add3A_497 = arith.constant 5 : i32
      %add3A_498 = arith.addi %mul3A_478, %add3A_497 : i32
      %add3A_499 = vector.broadcast %add3A_498 : i32 to vector<16xi32>
      %add3A_500 = arith.addi %mul3A_264, %add3A_499 : vector<16xi32>
      %gather3A_501 = tpu.vector_load_idx %arg12[%add3A_500] : memref<6144xi32, #tpu.memory_space<vmem>>[vector<16xi32>], vector<16xi32>,
      %convert_element_type3A_502 = arith.sitofp %gather3A_501 : vector<16xi32> to vector<16xf32>
      %mul3A_503 = arith.constant 10 : i32
      %mul3A_504 = arith.muli %mul3A_476, %mul3A_503 : i32
      %add3A_505 = vector.broadcast %mul3A_504 : i32 to vector<16xi32>
      %add3A_506 = arith.addi %add3A_505, %mul3A_267 : vector<16xi32>
      %mul3A_507 = vector.broadcast %squeeze3A_183 : f32 to vector<16xf32>
      %mul3A_508 = arith.mulf %convert_element_type3A_484, %mul3A_507 : vector<16xf32>
      %add3A_509 = vector.broadcast %squeeze3A : f32 to vector<16xf32>
      %add3A_510 = arith.addf %add3A_509, %mul3A_508 : vector<16xf32>
      %mul3A_511 = vector.broadcast %squeeze3A_185 : f32 to vector<16xf32>
      %mul3A_512 = arith.mulf %convert_element_type3A_490, %mul3A_511 : vector<16xf32>
      %add3A_513 = arith.addf %add3A_510, %mul3A_512 : vector<16xf32>
      %mul3A_514 = vector.broadcast %squeeze3A_187 : f32 to vector<16xf32>
      %mul3A_515 = arith.mulf %convert_element_type3A_496, %mul3A_514 : vector<16xf32>
      %add3A_516 = arith.addf %add3A_513, %mul3A_515 : vector<16xf32>
      %mul3A_517 = vector.broadcast %squeeze3A_189 : f32 to vector<16xf32>
      %mul3A_518 = arith.mulf %convert_element_type3A_502, %mul3A_517 : vector<16xf32>
      %add3A_519 = arith.addf %add3A_516, %mul3A_518 : vector<16xf32>
      %add3A_520 = arith.constant 0 : i32
      %add3A_521 = vector.broadcast %add3A_520 : i32 to vector<16xi32>
      %add3A_522 = arith.addi %add3A_506, %add3A_521 : vector<16xi32>
      tpu.vector_store_idx %arg15[%add3A_522], %add3A_519 : memref<10240xf32, #tpu.memory_space<vmem>>[vector<16xi32>], vector<16xf32>,
      %mul3A_523 = vector.broadcast %squeeze3A_191 : f32 to vector<16xf32>
      %mul3A_524 = arith.mulf %convert_element_type3A_484, %mul3A_523 : vector<16xf32>
      %add3A_525 = vector.broadcast %squeeze3A_165 : f32 to vector<16xf32>
      %add3A_526 = arith.addf %add3A_525, %mul3A_524 : vector<16xf32>
      %mul3A_527 = vector.broadcast %squeeze3A_193 : f32 to vector<16xf32>
      %mul3A_528 = arith.mulf %convert_element_type3A_490, %mul3A_527 : vector<16xf32>
      %add3A_529 = arith.addf %add3A_526, %mul3A_528 : vector<16xf32>
      %mul3A_530 = vector.broadcast %squeeze3A_195 : f32 to vector<16xf32>
      %mul3A_531 = arith.mulf %convert_element_type3A_496, %mul3A_530 : vector<16xf32>
      %add3A_532 = arith.addf %add3A_529, %mul3A_531 : vector<16xf32>
      %mul3A_533 = vector.broadcast %squeeze3A_197 : f32 to vector<16xf32>
      %mul3A_534 = arith.mulf %convert_element_type3A_502, %mul3A_533 : vector<16xf32>
      %add3A_535 = arith.addf %add3A_532, %mul3A_534 : vector<16xf32>
      %add3A_536 = arith.constant 1 : i32
      %add3A_537 = vector.broadcast %add3A_536 : i32 to vector<16xi32>
      %add3A_538 = arith.addi %add3A_506, %add3A_537 : vector<16xi32>
      tpu.vector_store_idx %arg15[%add3A_538], %add3A_535 : memref<10240xf32, #tpu.memory_space<vmem>>[vector<16xi32>], vector<16xf32>,
      %mul3A_539 = vector.broadcast %squeeze3A_199 : f32 to vector<16xf32>
      %mul3A_540 = arith.mulf %convert_element_type3A_484, %mul3A_539 : vector<16xf32>
      %add3A_541 = vector.broadcast %squeeze3A_167 : f32 to vector<16xf32>
      %add3A_542 = arith.addf %add3A_541, %mul3A_540 : vector<16xf32>
      %mul3A_543 = vector.broadcast %squeeze3A_201 : f32 to vector<16xf32>
      %mul3A_544 = arith.mulf %convert_element_type3A_490, %mul3A_543 : vector<16xf32>
      %add3A_545 = arith.addf %add3A_542, %mul3A_544 : vector<16xf32>
      %mul3A_546 = vector.broadcast %squeeze3A_203 : f32 to vector<16xf32>
      %mul3A_547 = arith.mulf %convert_element_type3A_496, %mul3A_546 : vector<16xf32>
      %add3A_548 = arith.addf %add3A_545, %mul3A_547 : vector<16xf32>
      %mul3A_549 = vector.broadcast %squeeze3A_205 : f32 to vector<16xf32>
      %mul3A_550 = arith.mulf %convert_element_type3A_502, %mul3A_549 : vector<16xf32>
      %add3A_551 = arith.addf %add3A_548, %mul3A_550 : vector<16xf32>
      %add3A_552 = arith.constant 2 : i32
      %add3A_553 = vector.broadcast %add3A_552 : i32 to vector<16xi32>
      %add3A_554 = arith.addi %add3A_506, %add3A_553 : vector<16xi32>
      tpu.vector_store_idx %arg15[%add3A_554], %add3A_551 : memref<10240xf32, #tpu.memory_space<vmem>>[vector<16xi32>], vector<16xf32>,
      %mul3A_555 = vector.broadcast %squeeze3A_207 : f32 to vector<16xf32>
      %mul3A_556 = arith.mulf %convert_element_type3A_484, %mul3A_555 : vector<16xf32>
      %add3A_557 = vector.broadcast %squeeze3A_169 : f32 to vector<16xf32>
      %add3A_558 = arith.addf %add3A_557, %mul3A_556 : vector<16xf32>
      %mul3A_559 = vector.broadcast %squeeze3A_209 : f32 to vector<16xf32>
      %mul3A_560 = arith.mulf %convert_element_type3A_490, %mul3A_559 : vector<16xf32>
      %add3A_561 = arith.addf %add3A_558, %mul3A_560 : vector<16xf32>
      %mul3A_562 = vector.broadcast %squeeze3A_211 : f32 to vector<16xf32>
      %mul3A_563 = arith.mulf %convert_element_type3A_496, %mul3A_562 : vector<16xf32>
      %add3A_564 = arith.addf %add3A_561, %mul3A_563 : vector<16xf32>
      %mul3A_565 = vector.broadcast %squeeze3A_213 : f32 to vector<16xf32>
      %mul3A_566 = arith.mulf %convert_element_type3A_502, %mul3A_565 : vector<16xf32>
      %add3A_567 = arith.addf %add3A_564, %mul3A_566 : vector<16xf32>
      %add3A_568 = arith.constant 3 : i32
      %add3A_569 = vector.broadcast %add3A_568 : i32 to vector<16xi32>
      %add3A_570 = arith.addi %add3A_506, %add3A_569 : vector<16xi32>
      tpu.vector_store_idx %arg15[%add3A_570], %add3A_567 : memref<10240xf32, #tpu.memory_space<vmem>>[vector<16xi32>], vector<16xf32>,
      %mul3A_571 = vector.broadcast %squeeze3A_215 : f32 to vector<16xf32>
      %mul3A_572 = arith.mulf %convert_element_type3A_484, %mul3A_571 : vector<16xf32>
      %add3A_573 = vector.broadcast %squeeze3A_171 : f32 to vector<16xf32>
      %add3A_574 = arith.addf %add3A_573, %mul3A_572 : vector<16xf32>
      %mul3A_575 = vector.broadcast %squeeze3A_217 : f32 to vector<16xf32>
      %mul3A_576 = arith.mulf %convert_element_type3A_490, %mul3A_575 : vector<16xf32>
      %add3A_577 = arith.addf %add3A_574, %mul3A_576 : vector<16xf32>
      %mul3A_578 = vector.broadcast %squeeze3A_219 : f32 to vector<16xf32>
      %mul3A_579 = arith.mulf %convert_element_type3A_496, %mul3A_578 : vector<16xf32>
      %add3A_580 = arith.addf %add3A_577, %mul3A_579 : vector<16xf32>
      %mul3A_581 = vector.broadcast %squeeze3A_221 : f32 to vector<16xf32>
      %mul3A_582 = arith.mulf %convert_element_type3A_502, %mul3A_581 : vector<16xf32>
      %add3A_583 = arith.addf %add3A_580, %mul3A_582 : vector<16xf32>
      %add3A_584 = arith.constant 4 : i32
      %add3A_585 = vector.broadcast %add3A_584 : i32 to vector<16xi32>
      %add3A_586 = arith.addi %add3A_506, %add3A_585 : vector<16xi32>
      tpu.vector_store_idx %arg15[%add3A_586], %add3A_583 : memref<10240xf32, #tpu.memory_space<vmem>>[vector<16xi32>], vector<16xf32>,
      %mul3A_587 = vector.broadcast %squeeze3A_223 : f32 to vector<16xf32>
      %mul3A_588 = arith.mulf %convert_element_type3A_484, %mul3A_587 : vector<16xf32>
      %add3A_589 = vector.broadcast %squeeze3A_173 : f32 to vector<16xf32>
      %add3A_590 = arith.addf %add3A_589, %mul3A_588 : vector<16xf32>
      %mul3A_591 = vector.broadcast %squeeze3A_225 : f32 to vector<16xf32>
      %mul3A_592 = arith.mulf %convert_element_type3A_490, %mul3A_591 : vector<16xf32>
      %add3A_593 = arith.addf %add3A_590, %mul3A_592 : vector<16xf32>
      %mul3A_594 = vector.broadcast %squeeze3A_227 : f32 to vector<16xf32>
      %mul3A_595 = arith.mulf %convert_element_type3A_496, %mul3A_594 : vector<16xf32>
      %add3A_596 = arith.addf %add3A_593, %mul3A_595 : vector<16xf32>
      %mul3A_597 = vector.broadcast %squeeze3A_229 : f32 to vector<16xf32>
      %mul3A_598 = arith.mulf %convert_element_type3A_502, %mul3A_597 : vector<16xf32>
      %add3A_599 = arith.addf %add3A_596, %mul3A_598 : vector<16xf32>
      %add3A_600 = arith.constant 5 : i32
      %add3A_601 = vector.broadcast %add3A_600 : i32 to vector<16xi32>
      %add3A_602 = arith.addi %add3A_506, %add3A_601 : vector<16xi32>
      tpu.vector_store_idx %arg15[%add3A_602], %add3A_599 : memref<10240xf32, #tpu.memory_space<vmem>>[vector<16xi32>], vector<16xf32>,
      %mul3A_603 = vector.broadcast %squeeze3A_231 : f32 to vector<16xf32>
      %mul3A_604 = arith.mulf %convert_element_type3A_484, %mul3A_603 : vector<16xf32>
      %add3A_605 = vector.broadcast %squeeze3A_175 : f32 to vector<16xf32>
      %add3A_606 = arith.addf %add3A_605, %mul3A_604 : vector<16xf32>
      %mul3A_607 = vector.broadcast %squeeze3A_233 : f32 to vector<16xf32>
      %mul3A_608 = arith.mulf %convert_element_type3A_490, %mul3A_607 : vector<16xf32>
      %add3A_609 = arith.addf %add3A_606, %mul3A_608 : vector<16xf32>
      %mul3A_610 = vector.broadcast %squeeze3A_235 : f32 to vector<16xf32>
      %mul3A_611 = arith.mulf %convert_element_type3A_496, %mul3A_610 : vector<16xf32>
      %add3A_612 = arith.addf %add3A_609, %mul3A_611 : vector<16xf32>
      %mul3A_613 = vector.broadcast %squeeze3A_237 : f32 to vector<16xf32>
      %mul3A_614 = arith.mulf %convert_element_type3A_502, %mul3A_613 : vector<16xf32>
      %add3A_615 = arith.addf %add3A_612, %mul3A_614 : vector<16xf32>
      %add3A_616 = arith.constant 6 : i32
      %add3A_617 = vector.broadcast %add3A_616 : i32 to vector<16xi32>
      %add3A_618 = arith.addi %add3A_506, %add3A_617 : vector<16xi32>
      tpu.vector_store_idx %arg15[%add3A_618], %add3A_615 : memref<10240xf32, #tpu.memory_space<vmem>>[vector<16xi32>], vector<16xf32>,
      %mul3A_619 = vector.broadcast %squeeze3A_239 : f32 to vector<16xf32>
      %mul3A_620 = arith.mulf %convert_element_type3A_484, %mul3A_619 : vector<16xf32>
      %add3A_621 = vector.broadcast %squeeze3A_177 : f32 to vector<16xf32>
      %add3A_622 = arith.addf %add3A_621, %mul3A_620 : vector<16xf32>
      %mul3A_623 = vector.broadcast %squeeze3A_241 : f32 to vector<16xf32>
      %mul3A_624 = arith.mulf %convert_element_type3A_490, %mul3A_623 : vector<16xf32>
      %add3A_625 = arith.addf %add3A_622, %mul3A_624 : vector<16xf32>
      %mul3A_626 = vector.broadcast %squeeze3A_243 : f32 to vector<16xf32>
      %mul3A_627 = arith.mulf %convert_element_type3A_496, %mul3A_626 : vector<16xf32>
      %add3A_628 = arith.addf %add3A_625, %mul3A_627 : vector<16xf32>
      %mul3A_629 = vector.broadcast %squeeze3A_245 : f32 to vector<16xf32>
      %mul3A_630 = arith.mulf %convert_element_type3A_502, %mul3A_629 : vector<16xf32>
      %add3A_631 = arith.addf %add3A_628, %mul3A_630 : vector<16xf32>
      %add3A_632 = arith.constant 7 : i32
      %add3A_633 = vector.broadcast %add3A_632 : i32 to vector<16xi32>
      %add3A_634 = arith.addi %add3A_506, %add3A_633 : vector<16xi32>
      tpu.vector_store_idx %arg15[%add3A_634], %add3A_631 : memref<10240xf32, #tpu.memory_space<vmem>>[vector<16xi32>], vector<16xf32>,
      %mul3A_635 = vector.broadcast %squeeze3A_247 : f32 to vector<16xf32>
      %mul3A_636 = arith.mulf %convert_element_type3A_484, %mul3A_635 : vector<16xf32>
      %add3A_637 = vector.broadcast %squeeze3A_179 : f32 to vector<16xf32>
      %add3A_638 = arith.addf %add3A_637, %mul3A_636 : vector<16xf32>
      %mul3A_639 = vector.broadcast %squeeze3A_249 : f32 to vector<16xf32>
      %mul3A_640 = arith.mulf %convert_element_type3A_490, %mul3A_639 : vector<16xf32>
      %add3A_641 = arith.addf %add3A_638, %mul3A_640 : vector<16xf32>
      %mul3A_642 = vector.broadcast %squeeze3A_251 : f32 to vector<16xf32>
      %mul3A_643 = arith.mulf %convert_element_type3A_496, %mul3A_642 : vector<16xf32>
      %add3A_644 = arith.addf %add3A_641, %mul3A_643 : vector<16xf32>
      %mul3A_645 = vector.broadcast %squeeze3A_253 : f32 to vector<16xf32>
      %mul3A_646 = arith.mulf %convert_element_type3A_502, %mul3A_645 : vector<16xf32>
      %add3A_647 = arith.addf %add3A_644, %mul3A_646 : vector<16xf32>
      %add3A_648 = arith.constant 8 : i32
      %add3A_649 = vector.broadcast %add3A_648 : i32 to vector<16xi32>
      %add3A_650 = arith.addi %add3A_506, %add3A_649 : vector<16xi32>
      tpu.vector_store_idx %arg15[%add3A_650], %add3A_647 : memref<10240xf32, #tpu.memory_space<vmem>>[vector<16xi32>], vector<16xf32>,
      %mul3A_651 = vector.broadcast %squeeze3A_255 : f32 to vector<16xf32>
      %mul3A_652 = arith.mulf %convert_element_type3A_484, %mul3A_651 : vector<16xf32>
      %add3A_653 = vector.broadcast %squeeze3A_181 : f32 to vector<16xf32>
      %add3A_654 = arith.addf %add3A_653, %mul3A_652 : vector<16xf32>
      %mul3A_655 = vector.broadcast %squeeze3A_257 : f32 to vector<16xf32>
      %mul3A_656 = arith.mulf %convert_element_type3A_490, %mul3A_655 : vector<16xf32>
      %add3A_657 = arith.addf %add3A_654, %mul3A_656 : vector<16xf32>
      %mul3A_658 = vector.broadcast %squeeze3A_259 : f32 to vector<16xf32>
      %mul3A_659 = arith.mulf %convert_element_type3A_496, %mul3A_658 : vector<16xf32>
      %add3A_660 = arith.addf %add3A_657, %mul3A_659 : vector<16xf32>
      %mul3A_661 = vector.broadcast %squeeze3A_261 : f32 to vector<16xf32>
      %mul3A_662 = arith.mulf %convert_element_type3A_502, %mul3A_661 : vector<16xf32>
      %add3A_663 = arith.addf %add3A_660, %mul3A_662 : vector<16xf32>
      %add3A_664 = arith.constant 9 : i32
      %add3A_665 = vector.broadcast %add3A_664 : i32 to vector<16xi32>
      %add3A_666 = arith.addi %add3A_506, %add3A_665 : vector<16xi32>
      tpu.vector_store_idx %arg15[%add3A_666], %add3A_663 : memref<10240xf32, #tpu.memory_space<vmem>>[vector<16xi32>], vector<16xf32>,
      %mul3A_667 = arith.constant 4 : i32
      %mul3A_668 = arith.muli %scan3A_275, %mul3A_667 : i32
      %add3A_669 = arith.constant 2 : i32
      %add3A_670 = arith.addi %mul3A_668, %add3A_669 : i32
      %mul3A_671 = arith.constant 16 : i32
      %mul3A_672 = arith.muli %add3A_670, %mul3A_671 : i32
      %mul3A_673 = arith.constant 6 : i32
      %mul3A_674 = arith.muli %mul3A_672, %mul3A_673 : i32
      %add3A_675 = arith.constant 3 : i32
      %add3A_676 = arith.addi %mul3A_674, %add3A_675 : i32
      %add3A_677 = vector.broadcast %add3A_676 : i32 to vector<16xi32>
      %add3A_678 = arith.addi %mul3A_264, %add3A_677 : vector<16xi32>
      %gather3A_679 = tpu.vector_load_idx %arg12[%add3A_678] : memref<6144xi32, #tpu.memory_space<vmem>>[vector<16xi32>], vector<16xi32>,
      %convert_element_type3A_680 = arith.sitofp %gather3A_679 : vector<16xi32> to vector<16xf32>
      %add3A_681 = arith.constant 2 : i32
      %add3A_682 = arith.addi %mul3A_674, %add3A_681 : i32
      %add3A_683 = vector.broadcast %add3A_682 : i32 to vector<16xi32>
      %add3A_684 = arith.addi %mul3A_264, %add3A_683 : vector<16xi32>
      %gather3A_685 = tpu.vector_load_idx %arg12[%add3A_684] : memref<6144xi32, #tpu.memory_space<vmem>>[vector<16xi32>], vector<16xi32>,
      %convert_element_type3A_686 = arith.sitofp %gather3A_685 : vector<16xi32> to vector<16xf32>
      %add3A_687 = arith.constant 4 : i32
      %add3A_688 = arith.addi %mul3A_674, %add3A_687 : i32
      %add3A_689 = vector.broadcast %add3A_688 : i32 to vector<16xi32>
      %add3A_690 = arith.addi %mul3A_264, %add3A_689 : vector<16xi32>
      %gather3A_691 = tpu.vector_load_idx %arg12[%add3A_690] : memref<6144xi32, #tpu.memory_space<vmem>>[vector<16xi32>], vector<16xi32>,
      %convert_element_type3A_692 = arith.sitofp %gather3A_691 : vector<16xi32> to vector<16xf32>
      %add3A_693 = arith.constant 5 : i32
      %add3A_694 = arith.addi %mul3A_674, %add3A_693 : i32
      %add3A_695 = vector.broadcast %add3A_694 : i32 to vector<16xi32>
      %add3A_696 = arith.addi %mul3A_264, %add3A_695 : vector<16xi32>
      %gather3A_697 = tpu.vector_load_idx %arg12[%add3A_696] : memref<6144xi32, #tpu.memory_space<vmem>>[vector<16xi32>], vector<16xi32>,
      %convert_element_type3A_698 = arith.sitofp %gather3A_697 : vector<16xi32> to vector<16xf32>
      %mul3A_699 = arith.constant 10 : i32
      %mul3A_700 = arith.muli %mul3A_672, %mul3A_699 : i32
      %add3A_701 = vector.broadcast %mul3A_700 : i32 to vector<16xi32>
      %add3A_702 = arith.addi %add3A_701, %mul3A_267 : vector<16xi32>
      %mul3A_703 = vector.broadcast %squeeze3A_183 : f32 to vector<16xf32>
      %mul3A_704 = arith.mulf %convert_element_type3A_680, %mul3A_703 : vector<16xf32>
      %add3A_705 = vector.broadcast %squeeze3A : f32 to vector<16xf32>
      %add3A_706 = arith.addf %add3A_705, %mul3A_704 : vector<16xf32>
      %mul3A_707 = vector.broadcast %squeeze3A_185 : f32 to vector<16xf32>
      %mul3A_708 = arith.mulf %convert_element_type3A_686, %mul3A_707 : vector<16xf32>
      %add3A_709 = arith.addf %add3A_706, %mul3A_708 : vector<16xf32>
      %mul3A_710 = vector.broadcast %squeeze3A_187 : f32 to vector<16xf32>
      %mul3A_711 = arith.mulf %convert_element_type3A_692, %mul3A_710 : vector<16xf32>
      %add3A_712 = arith.addf %add3A_709, %mul3A_711 : vector<16xf32>
      %mul3A_713 = vector.broadcast %squeeze3A_189 : f32 to vector<16xf32>
      %mul3A_714 = arith.mulf %convert_element_type3A_698, %mul3A_713 : vector<16xf32>
      %add3A_715 = arith.addf %add3A_712, %mul3A_714 : vector<16xf32>
      %add3A_716 = arith.constant 0 : i32
      %add3A_717 = vector.broadcast %add3A_716 : i32 to vector<16xi32>
      %add3A_718 = arith.addi %add3A_702, %add3A_717 : vector<16xi32>
      tpu.vector_store_idx %arg15[%add3A_718], %add3A_715 : memref<10240xf32, #tpu.memory_space<vmem>>[vector<16xi32>], vector<16xf32>,
      %mul3A_719 = vector.broadcast %squeeze3A_191 : f32 to vector<16xf32>
      %mul3A_720 = arith.mulf %convert_element_type3A_680, %mul3A_719 : vector<16xf32>
      %add3A_721 = vector.broadcast %squeeze3A_165 : f32 to vector<16xf32>
      %add3A_722 = arith.addf %add3A_721, %mul3A_720 : vector<16xf32>
      %mul3A_723 = vector.broadcast %squeeze3A_193 : f32 to vector<16xf32>
      %mul3A_724 = arith.mulf %convert_element_type3A_686, %mul3A_723 : vector<16xf32>
      %add3A_725 = arith.addf %add3A_722, %mul3A_724 : vector<16xf32>
      %mul3A_726 = vector.broadcast %squeeze3A_195 : f32 to vector<16xf32>
      %mul3A_727 = arith.mulf %convert_element_type3A_692, %mul3A_726 : vector<16xf32>
      %add3A_728 = arith.addf %add3A_725, %mul3A_727 : vector<16xf32>
      %mul3A_729 = vector.broadcast %squeeze3A_197 : f32 to vector<16xf32>
      %mul3A_730 = arith.mulf %convert_element_type3A_698, %mul3A_729 : vector<16xf32>
      %add3A_731 = arith.addf %add3A_728, %mul3A_730 : vector<16xf32>
      %add3A_732 = arith.constant 1 : i32
      %add3A_733 = vector.broadcast %add3A_732 : i32 to vector<16xi32>
      %add3A_734 = arith.addi %add3A_702, %add3A_733 : vector<16xi32>
      tpu.vector_store_idx %arg15[%add3A_734], %add3A_731 : memref<10240xf32, #tpu.memory_space<vmem>>[vector<16xi32>], vector<16xf32>,
      %mul3A_735 = vector.broadcast %squeeze3A_199 : f32 to vector<16xf32>
      %mul3A_736 = arith.mulf %convert_element_type3A_680, %mul3A_735 : vector<16xf32>
      %add3A_737 = vector.broadcast %squeeze3A_167 : f32 to vector<16xf32>
      %add3A_738 = arith.addf %add3A_737, %mul3A_736 : vector<16xf32>
      %mul3A_739 = vector.broadcast %squeeze3A_201 : f32 to vector<16xf32>
      %mul3A_740 = arith.mulf %convert_element_type3A_686, %mul3A_739 : vector<16xf32>
      %add3A_741 = arith.addf %add3A_738, %mul3A_740 : vector<16xf32>
      %mul3A_742 = vector.broadcast %squeeze3A_203 : f32 to vector<16xf32>
      %mul3A_743 = arith.mulf %convert_element_type3A_692, %mul3A_742 : vector<16xf32>
      %add3A_744 = arith.addf %add3A_741, %mul3A_743 : vector<16xf32>
      %mul3A_745 = vector.broadcast %squeeze3A_205 : f32 to vector<16xf32>
      %mul3A_746 = arith.mulf %convert_element_type3A_698, %mul3A_745 : vector<16xf32>
      %add3A_747 = arith.addf %add3A_744, %mul3A_746 : vector<16xf32>
      %add3A_748 = arith.constant 2 : i32
      %add3A_749 = vector.broadcast %add3A_748 : i32 to vector<16xi32>
      %add3A_750 = arith.addi %add3A_702, %add3A_749 : vector<16xi32>
      tpu.vector_store_idx %arg15[%add3A_750], %add3A_747 : memref<10240xf32, #tpu.memory_space<vmem>>[vector<16xi32>], vector<16xf32>,
      %mul3A_751 = vector.broadcast %squeeze3A_207 : f32 to vector<16xf32>
      %mul3A_752 = arith.mulf %convert_element_type3A_680, %mul3A_751 : vector<16xf32>
      %add3A_753 = vector.broadcast %squeeze3A_169 : f32 to vector<16xf32>
      %add3A_754 = arith.addf %add3A_753, %mul3A_752 : vector<16xf32>
      %mul3A_755 = vector.broadcast %squeeze3A_209 : f32 to vector<16xf32>
      %mul3A_756 = arith.mulf %convert_element_type3A_686, %mul3A_755 : vector<16xf32>
      %add3A_757 = arith.addf %add3A_754, %mul3A_756 : vector<16xf32>
      %mul3A_758 = vector.broadcast %squeeze3A_211 : f32 to vector<16xf32>
      %mul3A_759 = arith.mulf %convert_element_type3A_692, %mul3A_758 : vector<16xf32>
      %add3A_760 = arith.addf %add3A_757, %mul3A_759 : vector<16xf32>
      %mul3A_761 = vector.broadcast %squeeze3A_213 : f32 to vector<16xf32>
      %mul3A_762 = arith.mulf %convert_element_type3A_698, %mul3A_761 : vector<16xf32>
      %add3A_763 = arith.addf %add3A_760, %mul3A_762 : vector<16xf32>
      %add3A_764 = arith.constant 3 : i32
      %add3A_765 = vector.broadcast %add3A_764 : i32 to vector<16xi32>
      %add3A_766 = arith.addi %add3A_702, %add3A_765 : vector<16xi32>
      tpu.vector_store_idx %arg15[%add3A_766], %add3A_763 : memref<10240xf32, #tpu.memory_space<vmem>>[vector<16xi32>], vector<16xf32>,
      %mul3A_767 = vector.broadcast %squeeze3A_215 : f32 to vector<16xf32>
      %mul3A_768 = arith.mulf %convert_element_type3A_680, %mul3A_767 : vector<16xf32>
      %add3A_769 = vector.broadcast %squeeze3A_171 : f32 to vector<16xf32>
      %add3A_770 = arith.addf %add3A_769, %mul3A_768 : vector<16xf32>
      %mul3A_771 = vector.broadcast %squeeze3A_217 : f32 to vector<16xf32>
      %mul3A_772 = arith.mulf %convert_element_type3A_686, %mul3A_771 : vector<16xf32>
      %add3A_773 = arith.addf %add3A_770, %mul3A_772 : vector<16xf32>
      %mul3A_774 = vector.broadcast %squeeze3A_219 : f32 to vector<16xf32>
      %mul3A_775 = arith.mulf %convert_element_type3A_692, %mul3A_774 : vector<16xf32>
      %add3A_776 = arith.addf %add3A_773, %mul3A_775 : vector<16xf32>
      %mul3A_777 = vector.broadcast %squeeze3A_221 : f32 to vector<16xf32>
      %mul3A_778 = arith.mulf %convert_element_type3A_698, %mul3A_777 : vector<16xf32>
      %add3A_779 = arith.addf %add3A_776, %mul3A_778 : vector<16xf32>
      %add3A_780 = arith.constant 4 : i32
      %add3A_781 = vector.broadcast %add3A_780 : i32 to vector<16xi32>
      %add3A_782 = arith.addi %add3A_702, %add3A_781 : vector<16xi32>
      tpu.vector_store_idx %arg15[%add3A_782], %add3A_779 : memref<10240xf32, #tpu.memory_space<vmem>>[vector<16xi32>], vector<16xf32>,
      %mul3A_783 = vector.broadcast %squeeze3A_223 : f32 to vector<16xf32>
      %mul3A_784 = arith.mulf %convert_element_type3A_680, %mul3A_783 : vector<16xf32>
      %add3A_785 = vector.broadcast %squeeze3A_173 : f32 to vector<16xf32>
      %add3A_786 = arith.addf %add3A_785, %mul3A_784 : vector<16xf32>
      %mul3A_787 = vector.broadcast %squeeze3A_225 : f32 to vector<16xf32>
      %mul3A_788 = arith.mulf %convert_element_type3A_686, %mul3A_787 : vector<16xf32>
      %add3A_789 = arith.addf %add3A_786, %mul3A_788 : vector<16xf32>
      %mul3A_790 = vector.broadcast %squeeze3A_227 : f32 to vector<16xf32>
      %mul3A_791 = arith.mulf %convert_element_type3A_692, %mul3A_790 : vector<16xf32>
      %add3A_792 = arith.addf %add3A_789, %mul3A_791 : vector<16xf32>
      %mul3A_793 = vector.broadcast %squeeze3A_229 : f32 to vector<16xf32>
      %mul3A_794 = arith.mulf %convert_element_type3A_698, %mul3A_793 : vector<16xf32>
      %add3A_795 = arith.addf %add3A_792, %mul3A_794 : vector<16xf32>
      %add3A_796 = arith.constant 5 : i32
      %add3A_797 = vector.broadcast %add3A_796 : i32 to vector<16xi32>
      %add3A_798 = arith.addi %add3A_702, %add3A_797 : vector<16xi32>
      tpu.vector_store_idx %arg15[%add3A_798], %add3A_795 : memref<10240xf32, #tpu.memory_space<vmem>>[vector<16xi32>], vector<16xf32>,
      %mul3A_799 = vector.broadcast %squeeze3A_231 : f32 to vector<16xf32>
      %mul3A_800 = arith.mulf %convert_element_type3A_680, %mul3A_799 : vector<16xf32>
      %add3A_801 = vector.broadcast %squeeze3A_175 : f32 to vector<16xf32>
      %add3A_802 = arith.addf %add3A_801, %mul3A_800 : vector<16xf32>
      %mul3A_803 = vector.broadcast %squeeze3A_233 : f32 to vector<16xf32>
      %mul3A_804 = arith.mulf %convert_element_type3A_686, %mul3A_803 : vector<16xf32>
      %add3A_805 = arith.addf %add3A_802, %mul3A_804 : vector<16xf32>
      %mul3A_806 = vector.broadcast %squeeze3A_235 : f32 to vector<16xf32>
      %mul3A_807 = arith.mulf %convert_element_type3A_692, %mul3A_806 : vector<16xf32>
      %add3A_808 = arith.addf %add3A_805, %mul3A_807 : vector<16xf32>
      %mul3A_809 = vector.broadcast %squeeze3A_237 : f32 to vector<16xf32>
      %mul3A_810 = arith.mulf %convert_element_type3A_698, %mul3A_809 : vector<16xf32>
      %add3A_811 = arith.addf %add3A_808, %mul3A_810 : vector<16xf32>
      %add3A_812 = arith.constant 6 : i32
      %add3A_813 = vector.broadcast %add3A_812 : i32 to vector<16xi32>
      %add3A_814 = arith.addi %add3A_702, %add3A_813 : vector<16xi32>
      tpu.vector_store_idx %arg15[%add3A_814], %add3A_811 : memref<10240xf32, #tpu.memory_space<vmem>>[vector<16xi32>], vector<16xf32>,
      %mul3A_815 = vector.broadcast %squeeze3A_239 : f32 to vector<16xf32>
      %mul3A_816 = arith.mulf %convert_element_type3A_680, %mul3A_815 : vector<16xf32>
      %add3A_817 = vector.broadcast %squeeze3A_177 : f32 to vector<16xf32>
      %add3A_818 = arith.addf %add3A_817, %mul3A_816 : vector<16xf32>
      %mul3A_819 = vector.broadcast %squeeze3A_241 : f32 to vector<16xf32>
      %mul3A_820 = arith.mulf %convert_element_type3A_686, %mul3A_819 : vector<16xf32>
      %add3A_821 = arith.addf %add3A_818, %mul3A_820 : vector<16xf32>
      %mul3A_822 = vector.broadcast %squeeze3A_243 : f32 to vector<16xf32>
      %mul3A_823 = arith.mulf %convert_element_type3A_692, %mul3A_822 : vector<16xf32>
      %add3A_824 = arith.addf %add3A_821, %mul3A_823 : vector<16xf32>
      %mul3A_825 = vector.broadcast %squeeze3A_245 : f32 to vector<16xf32>
      %mul3A_826 = arith.mulf %convert_element_type3A_698, %mul3A_825 : vector<16xf32>
      %add3A_827 = arith.addf %add3A_824, %mul3A_826 : vector<16xf32>
      %add3A_828 = arith.constant 7 : i32
      %add3A_829 = vector.broadcast %add3A_828 : i32 to vector<16xi32>
      %add3A_830 = arith.addi %add3A_702, %add3A_829 : vector<16xi32>
      tpu.vector_store_idx %arg15[%add3A_830], %add3A_827 : memref<10240xf32, #tpu.memory_space<vmem>>[vector<16xi32>], vector<16xf32>,
      %mul3A_831 = vector.broadcast %squeeze3A_247 : f32 to vector<16xf32>
      %mul3A_832 = arith.mulf %convert_element_type3A_680, %mul3A_831 : vector<16xf32>
      %add3A_833 = vector.broadcast %squeeze3A_179 : f32 to vector<16xf32>
      %add3A_834 = arith.addf %add3A_833, %mul3A_832 : vector<16xf32>
      %mul3A_835 = vector.broadcast %squeeze3A_249 : f32 to vector<16xf32>
      %mul3A_836 = arith.mulf %convert_element_type3A_686, %mul3A_835 : vector<16xf32>
      %add3A_837 = arith.addf %add3A_834, %mul3A_836 : vector<16xf32>
      %mul3A_838 = vector.broadcast %squeeze3A_251 : f32 to vector<16xf32>
      %mul3A_839 = arith.mulf %convert_element_type3A_692, %mul3A_838 : vector<16xf32>
      %add3A_840 = arith.addf %add3A_837, %mul3A_839 : vector<16xf32>
      %mul3A_841 = vector.broadcast %squeeze3A_253 : f32 to vector<16xf32>
      %mul3A_842 = arith.mulf %convert_element_type3A_698, %mul3A_841 : vector<16xf32>
      %add3A_843 = arith.addf %add3A_840, %mul3A_842 : vector<16xf32>
      %add3A_844 = arith.constant 8 : i32
      %add3A_845 = vector.broadcast %add3A_844 : i32 to vector<16xi32>
      %add3A_846 = arith.addi %add3A_702, %add3A_845 : vector<16xi32>
      tpu.vector_store_idx %arg15[%add3A_846], %add3A_843 : memref<10240xf32, #tpu.memory_space<vmem>>[vector<16xi32>], vector<16xf32>,
      %mul3A_847 = vector.broadcast %squeeze3A_255 : f32 to vector<16xf32>
      %mul3A_848 = arith.mulf %convert_element_type3A_680, %mul3A_847 : vector<16xf32>
      %add3A_849 = vector.broadcast %squeeze3A_181 : f32 to vector<16xf32>
      %add3A_850 = arith.addf %add3A_849, %mul3A_848 : vector<16xf32>
      %mul3A_851 = vector.broadcast %squeeze3A_257 : f32 to vector<16xf32>
      %mul3A_852 = arith.mulf %convert_element_type3A_686, %mul3A_851 : vector<16xf32>
      %add3A_853 = arith.addf %add3A_850, %mul3A_852 : vector<16xf32>
      %mul3A_854 = vector.broadcast %squeeze3A_259 : f32 to vector<16xf32>
      %mul3A_855 = arith.mulf %convert_element_type3A_692, %mul3A_854 : vector<16xf32>
      %add3A_856 = arith.addf %add3A_853, %mul3A_855 : vector<16xf32>
      %mul3A_857 = vector.broadcast %squeeze3A_261 : f32 to vector<16xf32>
      %mul3A_858 = arith.mulf %convert_element_type3A_698, %mul3A_857 : vector<16xf32>
      %add3A_859 = arith.addf %add3A_856, %mul3A_858 : vector<16xf32>
      %add3A_860 = arith.constant 9 : i32
      %add3A_861 = vector.broadcast %add3A_860 : i32 to vector<16xi32>
      %add3A_862 = arith.addi %add3A_702, %add3A_861 : vector<16xi32>
      tpu.vector_store_idx %arg15[%add3A_862], %add3A_859 : memref<10240xf32, #tpu.memory_space<vmem>>[vector<16xi32>], vector<16xf32>,
      %mul3A_863 = arith.constant 4 : i32
      %mul3A_864 = arith.muli %scan3A_275, %mul3A_863 : i32
      %add3A_865 = arith.constant 3 : i32
      %add3A_866 = arith.addi %mul3A_864, %add3A_865 : i32
      %mul3A_867 = arith.constant 16 : i32
      %mul3A_868 = arith.muli %add3A_866, %mul3A_867 : i32
      %mul3A_869 = arith.constant 6 : i32
      %mul3A_870 = arith.muli %mul3A_868, %mul3A_869 : i32
      %add3A_871 = arith.constant 3 : i32
      %add3A_872 = arith.addi %mul3A_870, %add3A_871 : i32
      %add3A_873 = vector.broadcast %add3A_872 : i32 to vector<16xi32>
      %add3A_874 = arith.addi %mul3A_264, %add3A_873 : vector<16xi32>
      %gather3A_875 = tpu.vector_load_idx %arg12[%add3A_874] : memref<6144xi32, #tpu.memory_space<vmem>>[vector<16xi32>], vector<16xi32>,
      %convert_element_type3A_876 = arith.sitofp %gather3A_875 : vector<16xi32> to vector<16xf32>
      %add3A_877 = arith.constant 2 : i32
      %add3A_878 = arith.addi %mul3A_870, %add3A_877 : i32
      %add3A_879 = vector.broadcast %add3A_878 : i32 to vector<16xi32>
      %add3A_880 = arith.addi %mul3A_264, %add3A_879 : vector<16xi32>
      %gather3A_881 = tpu.vector_load_idx %arg12[%add3A_880] : memref<6144xi32, #tpu.memory_space<vmem>>[vector<16xi32>], vector<16xi32>,
      %convert_element_type3A_882 = arith.sitofp %gather3A_881 : vector<16xi32> to vector<16xf32>
      %add3A_883 = arith.constant 4 : i32
      %add3A_884 = arith.addi %mul3A_870, %add3A_883 : i32
      %add3A_885 = vector.broadcast %add3A_884 : i32 to vector<16xi32>
      %add3A_886 = arith.addi %mul3A_264, %add3A_885 : vector<16xi32>
      %gather3A_887 = tpu.vector_load_idx %arg12[%add3A_886] : memref<6144xi32, #tpu.memory_space<vmem>>[vector<16xi32>], vector<16xi32>,
      %convert_element_type3A_888 = arith.sitofp %gather3A_887 : vector<16xi32> to vector<16xf32>
      %add3A_889 = arith.constant 5 : i32
      %add3A_890 = arith.addi %mul3A_870, %add3A_889 : i32
      %add3A_891 = vector.broadcast %add3A_890 : i32 to vector<16xi32>
      %add3A_892 = arith.addi %mul3A_264, %add3A_891 : vector<16xi32>
      %gather3A_893 = tpu.vector_load_idx %arg12[%add3A_892] : memref<6144xi32, #tpu.memory_space<vmem>>[vector<16xi32>], vector<16xi32>,
      %convert_element_type3A_894 = arith.sitofp %gather3A_893 : vector<16xi32> to vector<16xf32>
      %mul3A_895 = arith.constant 10 : i32
      %mul3A_896 = arith.muli %mul3A_868, %mul3A_895 : i32
      %add3A_897 = vector.broadcast %mul3A_896 : i32 to vector<16xi32>
      %add3A_898 = arith.addi %add3A_897, %mul3A_267 : vector<16xi32>
      %mul3A_899 = vector.broadcast %squeeze3A_183 : f32 to vector<16xf32>
      %mul3A_900 = arith.mulf %convert_element_type3A_876, %mul3A_899 : vector<16xf32>
      %add3A_901 = vector.broadcast %squeeze3A : f32 to vector<16xf32>
      %add3A_902 = arith.addf %add3A_901, %mul3A_900 : vector<16xf32>
      %mul3A_903 = vector.broadcast %squeeze3A_185 : f32 to vector<16xf32>
      %mul3A_904 = arith.mulf %convert_element_type3A_882, %mul3A_903 : vector<16xf32>
      %add3A_905 = arith.addf %add3A_902, %mul3A_904 : vector<16xf32>
      %mul3A_906 = vector.broadcast %squeeze3A_187 : f32 to vector<16xf32>
      %mul3A_907 = arith.mulf %convert_element_type3A_888, %mul3A_906 : vector<16xf32>
      %add3A_908 = arith.addf %add3A_905, %mul3A_907 : vector<16xf32>
      %mul3A_909 = vector.broadcast %squeeze3A_189 : f32 to vector<16xf32>
      %mul3A_910 = arith.mulf %convert_element_type3A_894, %mul3A_909 : vector<16xf32>
      %add3A_911 = arith.addf %add3A_908, %mul3A_910 : vector<16xf32>
      %add3A_912 = arith.constant 0 : i32
      %add3A_913 = vector.broadcast %add3A_912 : i32 to vector<16xi32>
      %add3A_914 = arith.addi %add3A_898, %add3A_913 : vector<16xi32>
      tpu.vector_store_idx %arg15[%add3A_914], %add3A_911 : memref<10240xf32, #tpu.memory_space<vmem>>[vector<16xi32>], vector<16xf32>,
      %mul3A_915 = vector.broadcast %squeeze3A_191 : f32 to vector<16xf32>
      %mul3A_916 = arith.mulf %convert_element_type3A_876, %mul3A_915 : vector<16xf32>
      %add3A_917 = vector.broadcast %squeeze3A_165 : f32 to vector<16xf32>
      %add3A_918 = arith.addf %add3A_917, %mul3A_916 : vector<16xf32>
      %mul3A_919 = vector.broadcast %squeeze3A_193 : f32 to vector<16xf32>
      %mul3A_920 = arith.mulf %convert_element_type3A_882, %mul3A_919 : vector<16xf32>
      %add3A_921 = arith.addf %add3A_918, %mul3A_920 : vector<16xf32>
      %mul3A_922 = vector.broadcast %squeeze3A_195 : f32 to vector<16xf32>
      %mul3A_923 = arith.mulf %convert_element_type3A_888, %mul3A_922 : vector<16xf32>
      %add3A_924 = arith.addf %add3A_921, %mul3A_923 : vector<16xf32>
      %mul3A_925 = vector.broadcast %squeeze3A_197 : f32 to vector<16xf32>
      %mul3A_926 = arith.mulf %convert_element_type3A_894, %mul3A_925 : vector<16xf32>
      %add3A_927 = arith.addf %add3A_924, %mul3A_926 : vector<16xf32>
      %add3A_928 = arith.constant 1 : i32
      %add3A_929 = vector.broadcast %add3A_928 : i32 to vector<16xi32>
      %add3A_930 = arith.addi %add3A_898, %add3A_929 : vector<16xi32>
      tpu.vector_store_idx %arg15[%add3A_930], %add3A_927 : memref<10240xf32, #tpu.memory_space<vmem>>[vector<16xi32>], vector<16xf32>,
      %mul3A_931 = vector.broadcast %squeeze3A_199 : f32 to vector<16xf32>
      %mul3A_932 = arith.mulf %convert_element_type3A_876, %mul3A_931 : vector<16xf32>
      %add3A_933 = vector.broadcast %squeeze3A_167 : f32 to vector<16xf32>
      %add3A_934 = arith.addf %add3A_933, %mul3A_932 : vector<16xf32>
      %mul3A_935 = vector.broadcast %squeeze3A_201 : f32 to vector<16xf32>
      %mul3A_936 = arith.mulf %convert_element_type3A_882, %mul3A_935 : vector<16xf32>
      %add3A_937 = arith.addf %add3A_934, %mul3A_936 : vector<16xf32>
      %mul3A_938 = vector.broadcast %squeeze3A_203 : f32 to vector<16xf32>
      %mul3A_939 = arith.mulf %convert_element_type3A_888, %mul3A_938 : vector<16xf32>
      %add3A_940 = arith.addf %add3A_937, %mul3A_939 : vector<16xf32>
      %mul3A_941 = vector.broadcast %squeeze3A_205 : f32 to vector<16xf32>
      %mul3A_942 = arith.mulf %convert_element_type3A_894, %mul3A_941 : vector<16xf32>
      %add3A_943 = arith.addf %add3A_940, %mul3A_942 : vector<16xf32>
      %add3A_944 = arith.constant 2 : i32
      %add3A_945 = vector.broadcast %add3A_944 : i32 to vector<16xi32>
      %add3A_946 = arith.addi %add3A_898, %add3A_945 : vector<16xi32>
      tpu.vector_store_idx %arg15[%add3A_946], %add3A_943 : memref<10240xf32, #tpu.memory_space<vmem>>[vector<16xi32>], vector<16xf32>,
      %mul3A_947 = vector.broadcast %squeeze3A_207 : f32 to vector<16xf32>
      %mul3A_948 = arith.mulf %convert_element_type3A_876, %mul3A_947 : vector<16xf32>
      %add3A_949 = vector.broadcast %squeeze3A_169 : f32 to vector<16xf32>
      %add3A_950 = arith.addf %add3A_949, %mul3A_948 : vector<16xf32>
      %mul3A_951 = vector.broadcast %squeeze3A_209 : f32 to vector<16xf32>
      %mul3A_952 = arith.mulf %convert_element_type3A_882, %mul3A_951 : vector<16xf32>
      %add3A_953 = arith.addf %add3A_950, %mul3A_952 : vector<16xf32>
      %mul3A_954 = vector.broadcast %squeeze3A_211 : f32 to vector<16xf32>
      %mul3A_955 = arith.mulf %convert_element_type3A_888, %mul3A_954 : vector<16xf32>
      %add3A_956 = arith.addf %add3A_953, %mul3A_955 : vector<16xf32>
      %mul3A_957 = vector.broadcast %squeeze3A_213 : f32 to vector<16xf32>
      %mul3A_958 = arith.mulf %convert_element_type3A_894, %mul3A_957 : vector<16xf32>
      %add3A_959 = arith.addf %add3A_956, %mul3A_958 : vector<16xf32>
      %add3A_960 = arith.constant 3 : i32
      %add3A_961 = vector.broadcast %add3A_960 : i32 to vector<16xi32>
      %add3A_962 = arith.addi %add3A_898, %add3A_961 : vector<16xi32>
      tpu.vector_store_idx %arg15[%add3A_962], %add3A_959 : memref<10240xf32, #tpu.memory_space<vmem>>[vector<16xi32>], vector<16xf32>,
      %mul3A_963 = vector.broadcast %squeeze3A_215 : f32 to vector<16xf32>
      %mul3A_964 = arith.mulf %convert_element_type3A_876, %mul3A_963 : vector<16xf32>
      %add3A_965 = vector.broadcast %squeeze3A_171 : f32 to vector<16xf32>
      %add3A_966 = arith.addf %add3A_965, %mul3A_964 : vector<16xf32>
      %mul3A_967 = vector.broadcast %squeeze3A_217 : f32 to vector<16xf32>
      %mul3A_968 = arith.mulf %convert_element_type3A_882, %mul3A_967 : vector<16xf32>
      %add3A_969 = arith.addf %add3A_966, %mul3A_968 : vector<16xf32>
      %mul3A_970 = vector.broadcast %squeeze3A_219 : f32 to vector<16xf32>
      %mul3A_971 = arith.mulf %convert_element_type3A_888, %mul3A_970 : vector<16xf32>
      %add3A_972 = arith.addf %add3A_969, %mul3A_971 : vector<16xf32>
      %mul3A_973 = vector.broadcast %squeeze3A_221 : f32 to vector<16xf32>
      %mul3A_974 = arith.mulf %convert_element_type3A_894, %mul3A_973 : vector<16xf32>
      %add3A_975 = arith.addf %add3A_972, %mul3A_974 : vector<16xf32>
      %add3A_976 = arith.constant 4 : i32
      %add3A_977 = vector.broadcast %add3A_976 : i32 to vector<16xi32>
      %add3A_978 = arith.addi %add3A_898, %add3A_977 : vector<16xi32>
      tpu.vector_store_idx %arg15[%add3A_978], %add3A_975 : memref<10240xf32, #tpu.memory_space<vmem>>[vector<16xi32>], vector<16xf32>,
      %mul3A_979 = vector.broadcast %squeeze3A_223 : f32 to vector<16xf32>
      %mul3A_980 = arith.mulf %convert_element_type3A_876, %mul3A_979 : vector<16xf32>
      %add3A_981 = vector.broadcast %squeeze3A_173 : f32 to vector<16xf32>
      %add3A_982 = arith.addf %add3A_981, %mul3A_980 : vector<16xf32>
      %mul3A_983 = vector.broadcast %squeeze3A_225 : f32 to vector<16xf32>
      %mul3A_984 = arith.mulf %convert_element_type3A_882, %mul3A_983 : vector<16xf32>
      %add3A_985 = arith.addf %add3A_982, %mul3A_984 : vector<16xf32>
      %mul3A_986 = vector.broadcast %squeeze3A_227 : f32 to vector<16xf32>
      %mul3A_987 = arith.mulf %convert_element_type3A_888, %mul3A_986 : vector<16xf32>
      %add3A_988 = arith.addf %add3A_985, %mul3A_987 : vector<16xf32>
      %mul3A_989 = vector.broadcast %squeeze3A_229 : f32 to vector<16xf32>
      %mul3A_990 = arith.mulf %convert_element_type3A_894, %mul3A_989 : vector<16xf32>
      %add3A_991 = arith.addf %add3A_988, %mul3A_990 : vector<16xf32>
      %add3A_992 = arith.constant 5 : i32
      %add3A_993 = vector.broadcast %add3A_992 : i32 to vector<16xi32>
      %add3A_994 = arith.addi %add3A_898, %add3A_993 : vector<16xi32>
      tpu.vector_store_idx %arg15[%add3A_994], %add3A_991 : memref<10240xf32, #tpu.memory_space<vmem>>[vector<16xi32>], vector<16xf32>,
      %mul3A_995 = vector.broadcast %squeeze3A_231 : f32 to vector<16xf32>
      %mul3A_996 = arith.mulf %convert_element_type3A_876, %mul3A_995 : vector<16xf32>
      %add3A_997 = vector.broadcast %squeeze3A_175 : f32 to vector<16xf32>
      %add3A_998 = arith.addf %add3A_997, %mul3A_996 : vector<16xf32>
      %mul3A_999 = vector.broadcast %squeeze3A_233 : f32 to vector<16xf32>
      %mul3A_1000 = arith.mulf %convert_element_type3A_882, %mul3A_999 : vector<16xf32>
      %add3A_1001 = arith.addf %add3A_998, %mul3A_1000 : vector<16xf32>
      %mul3A_1002 = vector.broadcast %squeeze3A_235 : f32 to vector<16xf32>
      %mul3A_1003 = arith.mulf %convert_element_type3A_888, %mul3A_1002 : vector<16xf32>
      %add3A_1004 = arith.addf %add3A_1001, %mul3A_1003 : vector<16xf32>
      %mul3A_1005 = vector.broadcast %squeeze3A_237 : f32 to vector<16xf32>
      %mul3A_1006 = arith.mulf %convert_element_type3A_894, %mul3A_1005 : vector<16xf32>
      %add3A_1007 = arith.addf %add3A_1004, %mul3A_1006 : vector<16xf32>
      %add3A_1008 = arith.constant 6 : i32
      %add3A_1009 = vector.broadcast %add3A_1008 : i32 to vector<16xi32>
      %add3A_1010 = arith.addi %add3A_898, %add3A_1009 : vector<16xi32>
      tpu.vector_store_idx %arg15[%add3A_1010], %add3A_1007 : memref<10240xf32, #tpu.memory_space<vmem>>[vector<16xi32>], vector<16xf32>,
      %mul3A_1011 = vector.broadcast %squeeze3A_239 : f32 to vector<16xf32>
      %mul3A_1012 = arith.mulf %convert_element_type3A_876, %mul3A_1011 : vector<16xf32>
      %add3A_1013 = vector.broadcast %squeeze3A_177 : f32 to vector<16xf32>
      %add3A_1014 = arith.addf %add3A_1013, %mul3A_1012 : vector<16xf32>
      %mul3A_1015 = vector.broadcast %squeeze3A_241 : f32 to vector<16xf32>
      %mul3A_1016 = arith.mulf %convert_element_type3A_882, %mul3A_1015 : vector<16xf32>
      %add3A_1017 = arith.addf %add3A_1014, %mul3A_1016 : vector<16xf32>
      %mul3A_1018 = vector.broadcast %squeeze3A_243 : f32 to vector<16xf32>
      %mul3A_1019 = arith.mulf %convert_element_type3A_888, %mul3A_1018 : vector<16xf32>
      %add3A_1020 = arith.addf %add3A_1017, %mul3A_1019 : vector<16xf32>
      %mul3A_1021 = vector.broadcast %squeeze3A_245 : f32 to vector<16xf32>
      %mul3A_1022 = arith.mulf %convert_element_type3A_894, %mul3A_1021 : vector<16xf32>
      %add3A_1023 = arith.addf %add3A_1020, %mul3A_1022 : vector<16xf32>
      %add3A_1024 = arith.constant 7 : i32
      %add3A_1025 = vector.broadcast %add3A_1024 : i32 to vector<16xi32>
      %add3A_1026 = arith.addi %add3A_898, %add3A_1025 : vector<16xi32>
      tpu.vector_store_idx %arg15[%add3A_1026], %add3A_1023 : memref<10240xf32, #tpu.memory_space<vmem>>[vector<16xi32>], vector<16xf32>,
      %mul3A_1027 = vector.broadcast %squeeze3A_247 : f32 to vector<16xf32>
      %mul3A_1028 = arith.mulf %convert_element_type3A_876, %mul3A_1027 : vector<16xf32>
      %add3A_1029 = vector.broadcast %squeeze3A_179 : f32 to vector<16xf32>
      %add3A_1030 = arith.addf %add3A_1029, %mul3A_1028 : vector<16xf32>
      %mul3A_1031 = vector.broadcast %squeeze3A_249 : f32 to vector<16xf32>
      %mul3A_1032 = arith.mulf %convert_element_type3A_882, %mul3A_1031 : vector<16xf32>
      %add3A_1033 = arith.addf %add3A_1030, %mul3A_1032 : vector<16xf32>
      %mul3A_1034 = vector.broadcast %squeeze3A_251 : f32 to vector<16xf32>
      %mul3A_1035 = arith.mulf %convert_element_type3A_888, %mul3A_1034 : vector<16xf32>
      %add3A_1036 = arith.addf %add3A_1033, %mul3A_1035 : vector<16xf32>
      %mul3A_1037 = vector.broadcast %squeeze3A_253 : f32 to vector<16xf32>
      %mul3A_1038 = arith.mulf %convert_element_type3A_894, %mul3A_1037 : vector<16xf32>
      %add3A_1039 = arith.addf %add3A_1036, %mul3A_1038 : vector<16xf32>
      %add3A_1040 = arith.constant 8 : i32
      %add3A_1041 = vector.broadcast %add3A_1040 : i32 to vector<16xi32>
      %add3A_1042 = arith.addi %add3A_898, %add3A_1041 : vector<16xi32>
      tpu.vector_store_idx %arg15[%add3A_1042], %add3A_1039 : memref<10240xf32, #tpu.memory_space<vmem>>[vector<16xi32>], vector<16xf32>,
      %mul3A_1043 = vector.broadcast %squeeze3A_255 : f32 to vector<16xf32>
      %mul3A_1044 = arith.mulf %convert_element_type3A_876, %mul3A_1043 : vector<16xf32>
      %add3A_1045 = vector.broadcast %squeeze3A_181 : f32 to vector<16xf32>
      %add3A_1046 = arith.addf %add3A_1045, %mul3A_1044 : vector<16xf32>
      %mul3A_1047 = vector.broadcast %squeeze3A_257 : f32 to vector<16xf32>
      %mul3A_1048 = arith.mulf %convert_element_type3A_882, %mul3A_1047 : vector<16xf32>
      %add3A_1049 = arith.addf %add3A_1046, %mul3A_1048 : vector<16xf32>
      %mul3A_1050 = vector.broadcast %squeeze3A_259 : f32 to vector<16xf32>
      %mul3A_1051 = arith.mulf %convert_element_type3A_888, %mul3A_1050 : vector<16xf32>
      %add3A_1052 = arith.addf %add3A_1049, %mul3A_1051 : vector<16xf32>
      %mul3A_1053 = vector.broadcast %squeeze3A_261 : f32 to vector<16xf32>
      %mul3A_1054 = arith.mulf %convert_element_type3A_894, %mul3A_1053 : vector<16xf32>
      %add3A_1055 = arith.addf %add3A_1052, %mul3A_1054 : vector<16xf32>
      %add3A_1056 = arith.constant 9 : i32
      %add3A_1057 = vector.broadcast %add3A_1056 : i32 to vector<16xi32>
      %add3A_1058 = arith.addi %add3A_898, %add3A_1057 : vector<16xi32>
      tpu.vector_store_idx %arg15[%add3A_1058], %add3A_1055 : memref<10240xf32, #tpu.memory_space<vmem>>[vector<16xi32>], vector<16xf32>,
    }
    %scan3A_272 = arith.constant 16 : i32
    %mul3A_273 = arith.constant 10 : i32
    %mul3A_274 = arith.muli %mul3A_2, %mul3A_273 : i32
    "tpu.region"() ({
      %run_scoped3A = tpu.sem_alloc : memref<!tpu.dma_semaphore, #tpu.memory_space<semaphore_mem>>
      %dma_start3A_275 = tpu.memref_slice %arg11[%mul3A_274] : memref<163840xf32, #tpu.memory_space<hbm>> -> memref<10240xf32, #tpu.memory_space<hbm>>
      %dma_start3A_276 = tpu.memref_slice %arg11[%mul3A_274] : memref<163840xf32, #tpu.memory_space<hbm>> -> memref<10240xf32, #tpu.memory_space<hbm>>
      tpu.enqueue_dma source(%arg15 : memref<10240xf32, #tpu.memory_space<vmem>>) target(%dma_start3A_276 : memref<10240xf32, #tpu.memory_space<hbm>>) target_semaphore(%run_scoped3A : memref<!tpu.dma_semaphore, #tpu.memory_space<semaphore_mem>>)
      %dma_wait3A_277 = tpu.memref_slice %arg11[%mul3A_274] : memref<163840xf32, #tpu.memory_space<hbm>> -> memref<10240xf32, #tpu.memory_space<hbm>>
      %dma_wait3A_278 = tpu.memref_slice %arg11[%mul3A_274] : memref<163840xf32, #tpu.memory_space<hbm>> -> memref<10240xf32, #tpu.memory_space<hbm>>
      tpu.wait_dma2 semaphore(%run_scoped3A : memref<!tpu.dma_semaphore, #tpu.memory_space<semaphore_mem>>) src(%arg15 : memref<10240xf32, #tpu.memory_space<vmem>>) dst(%dma_wait3A_278 : memref<10240xf32, #tpu.memory_space<hbm>>)
      tpu.yield
    }) : () -> ()
    return
  }
}

</mosaic_0001>

<sc_bundles>
// kernel: kernel.3.cloned.1.call-start
scs
__scs_entry_jumppad:
0x0: {  	(pc) =	sbr.rel $0x88, $3  }
0x1: {  	(tag) =	ssettag $0x0;
	lr =	simm.s32 $0x1  }
0x2: {  	[smem:$0x3F98] =	sst lr;
	_ =	strace $0xD0000000  }
0x3: {  	_ = 	snop  }
0x4: {  	_ = 	snop  }
0x5: {  	_ = 	snop  }
0x6: {  	_ = 	snop  }
0x7: {  	_ = 	snop  }
__scs_overlays_trampoline_lowered:
0x8: {  	[smem:$0x3FA7] =	sst s0  }
0x9: {  	[smem:$0x3FA8] =	sst s1  }
0xa: {  	[smem:$0x3FA9] =	sst s2  }
0xb: {  	[smem:$0x3FAA] =	sst s3  }
0xc: {  	[smem:$0x3FAB] =	sst s4  }
0xd: {  	[smem:$0x3FAC] =	sst s5  }
0xe: {  	[smem:$0x3FAD] =	sst s6  }
0xf: {  	[smem:$0x3FAE] =	sst s7  }
0x10: {  	[smem:$0x3FAF] =	sst s8  }
0x11: {  	[smem:$0x3FB0] =	sst s9;
	s0 =	simm.s32 @!p0 $0x0  }
0x12: {  	s1 =	sld [smem:$0x3F96];
	s0 =	simm.s32 @p0 $0x1  }
0x13: {  	[smem:$0x3FB1] =	sst s0;
	s0 =	simm.s32 @!p1 $0x0  }
0x14: {  	s2 =	sld [smem:$0x3F95];
	s0 =	simm.s32 @p1 $0x1  }
0x15: {  	[smem:$0x3FB2] =	sst s0;
	s0 =	simm.s32 @!p2 $0x0  }
0x16: {  	s3 =	sld [smem:$0x3FDB];
	s0 =	simm.s32 @p2 $0x1  }
0x17: {  	s4 =	simm.s32 $0x1BF5;
	[smem:$0x3FB4] =	sst s0  }
0x18: {  	s0 =	sld [smem:$0x3F97];
	_ =	swait.ge [sflag:s4], $0x0  }
0x19: {  	s7 =	sld [smem:$0x3F98]  }
0x1a: {  	s8 =	sadd.s32 $0xFFFFE003, lr  }
0x1b: {  	s9 =	sadd.s32 $0xFFFFFEF7, lr;
	s5 =	simm.s32 $0xFFFFFFFF;
	p2 =	slt.u32 s8, $0xFFFFF086  }
0x1c: {  	p1 =	slt.u32 s9, $0xF7A;
	s5 =	simm.s32 @!p2 $0x0  }
0x1d: {  	s5 =	simm.s32 @p1 $0x1;
	p0 =	seq.s32 s7, s2  }
0x1e: {  	s7 =	smul.u32 @!p0 $0xF7A, s2;
	p2 =	seq.s32 @!p0 s5, $0x0  }
0x1f: {  	s9 =	smul.u32 $0xF7A, s1;
	s8 =	simm.s32 @!p0 $0x1BF5;
	p2 =	por !p2, p0  }
0x20: {  	[sflag:s8] =	ssyncset.s32 @!p0 $0xFFFFF086;
	s6 =	sadd.s32 @!p0 s3, s7;
	s7 =	simm.s32 @!p0 $0x108  }
0x21: {  	s3 =	sadd.s32 s3, s9;
	s6 =	sadd.s32 @!p0 $0x88, s6;
	s7 =	simm.s32 @p2 $0x1082  }
0x22: {  	[simem:s7], [sflag:s8] =	dma.local @!p0 [hbm:s6], $0xF7A  }
0x23: {  	s9 =	sor.u32 $0xD0000000, s2;
	s6 =	simm.s32 $0x108;
	_ =	swait.ge @!p0 [sflag:s8], $0x0  }
0x24: {  	s3 =	sadd.s32 $0x88, s3;
	s6 =	simm.s32 @!p1 $0x1082;
	[sflag:s4] =	ssyncset.s32 $0xFFFFF086  }
0x25: {  	[simem:s6], [sflag:s4] =	dma.local [hbm:s3], $0xF7A  }
0x26: {  	[smem:$0x3F98] =	sst s1;
	(tag) =	ssettag s2;
	_ =	strace s9  }
0x27: {  	s1 =	sld [smem:$0x3FA8]  }
0x28: {  	s2 =	sld [smem:$0x3FA9]  }
0x29: {  	s4 =	sld [smem:$0x3FAB]  }
0x2a: {  	p0 =	seq.s32 s5, $0x0;
	s5 =	sld [smem:$0x3FAC]  }
0x2b: {  	s6 =	sld [smem:$0x3FAD]  }
0x2c: {  	s7 =	sld [smem:$0x3FAE]  }
0x2d: {  	s3 =	simm.s32 $0x108;
	s8 =	sld [smem:$0x3FAF]  }
0x2e: {  	s3 =	simm.s32 @!p0 $0x1082;
	s9 =	sld [smem:$0x3FB0]  }
0x2f: {  	lr =	sadd.s32 s0, s3;
	s0 =	sld [smem:$0x3FA7]  }
0x30: {  	s3 =	sld [smem:$0x3FAA]  }
0x31: {  	[smem:$0x3FB3] =	sst s10  }
0x32: {  	s10 =	sld [smem:$0x3FB1];
	_ =	sdelay $0x3  }
0x33: {  	p0 =	seq.s32 s10, $0x1;
	s10 =	sld [smem:$0x3FB3];
	_ =	sdelay $0x3  }
0x34: {  	[smem:$0x3FB3] =	sst s10  }
0x35: {  	s10 =	sld [smem:$0x3FB2];
	_ =	sdelay $0x3  }
0x36: {  	p1 =	seq.s32 s10, $0x1;
	s10 =	sld [smem:$0x3FB3];
	_ =	sdelay $0x3  }
0x37: {  	[smem:$0x3FB3] =	sst s10  }
0x38: {  	s10 =	sld [smem:$0x3FB4]  }
0x39: {  	_ = 	snop;
	(pc) =	sbr.ind lr, $3  }
0x3a: {  	_ = 	snop  }
0x3b: {  	_ = 	snop  }
0x3c: {  	p2 =	seq.s32 s10, $0x1;
	s10 =	sld [smem:$0x3FB3]  }
0x3d: {  	_ =	shalt  }
0x3e: {  	_ =	shalt  }
0x3f: {  	_ =	shalt  }
0x40: {  	_ =	shalt  }
0x41: {  	_ =	shalt  }
0x42: {  	_ =	shalt  }
0x43: {  	_ =	shalt  }
0x44: {  	_ =	shalt  }
0x45: {  	_ =	shalt  }
0x46: {  	_ =	shalt  }
0x47: {  	_ =	shalt  }
0x48: {  	_ =	shalt  }
0x49: {  	_ =	shalt  }
0x4a: {  	_ =	shalt  }
0x4b: {  	_ =	shalt  }
0x4c: {  	_ =	shalt  }
0x4d: {  	_ =	shalt  }
0x4e: {  	_ =	shalt  }
0x4f: {  	_ =	shalt  }
0x50: {  	_ =	shalt  }
0x51: {  	_ =	shalt  }
0x52: {  	_ =	shalt  }
0x53: {  	_ =	shalt  }
0x54: {  	_ =	shalt  }
0x55: {  	_ =	shalt  }
0x56: {  	_ =	shalt  }
0x57: {  	_ =	shalt  }
0x58: {  	_ =	shalt  }
0x59: {  	_ =	shalt  }
0x5a: {  	_ =	shalt  }
0x5b: {  	_ =	shalt  }
0x5c: {  	_ =	shalt  }
0x5d: {  	_ =	shalt  }
0x5e: {  	_ =	shalt  }
0x5f: {  	_ =	shalt  }
0x60: {  	_ =	shalt  }
0x61: {  	_ =	shalt  }
0x62: {  	_ =	shalt  }
0x63: {  	_ =	shalt  }
0x64: {  	_ =	shalt  }
0x65: {  	_ =	shalt  }
0x66: {  	_ =	shalt  }
0x67: {  	_ =	shalt  }
0x68: {  	_ =	shalt  }
0x69: {  	_ =	shalt  }
0x6a: {  	_ =	shalt  }
0x6b: {  	_ =	shalt  }
0x6c: {  	_ =	shalt  }
0x6d: {  	_ =	shalt  }
0x6e: {  	_ =	shalt  }
0x6f: {  	_ =	shalt  }
0x70: {  	_ =	shalt  }
0x71: {  	_ =	shalt  }
0x72: {  	_ =	shalt  }
0x73: {  	_ =	shalt  }
0x74: {  	_ =	shalt  }
0x75: {  	_ =	shalt  }
0x76: {  	_ =	shalt  }
0x77: {  	_ =	shalt  }
0x78: {  	_ =	shalt  }
0x79: {  	_ =	shalt  }
0x7a: {  	_ =	shalt  }
0x7b: {  	_ =	shalt  }
0x7c: {  	_ =	shalt  }
0x7d: {  	_ =	shalt  }
0x7e: {  	_ =	shalt  }
0x7f: {  	_ =	shalt  }
0x80: {  	_ =	shalt  }
0x81: {  	_ =	shalt  }
0x82: {  	_ =	shalt  }
0x83: {  	_ =	shalt  }
0x84: {  	_ =	shalt  }
0x85: {  	_ =	shalt  }
0x86: {  	_ =	shalt  }
0x87: {  	_ =	shalt  }
.Lfunc_end0:
.L_simem_size_0:
called_computation_lowered:
.L_overlay_start_0:
0x88: {  	s0 =	sld [smem:$0x3FD9]  }
0x89: {  	s1 =	sld [smem:$0x3FFE];
	_ =	sdelay $0x3  }
0x8a: {  	s0 =	sadd.s32 s1, s0  }
0x8b: {  	[smem:$0x3FBF] =	sst s0  }
0x8c: {  	_ = 	snop  }
0x8d: {  	s0 =	sld [smem:$0x3FC4]  }
0x8e: {  	s16 =	sld [smem:$0x3FC3]  }
0x8f: {  	s2 =	sld [smem:$0x3FC2]  }
0x90: {  	s3 =	sld [smem:$0x3FC1]  }
0x91: {  	s4 =	sld [smem:$0x3FD0];
	(tm) =	ssettm $0x1  }
0x92: {  	s5 =	sld [smem:$0x3FFB];
	_ =	sdelay $0x3  }
0x93: {  	_ =	strace s5  }
0x94: {  	s5 =	sld [smem:$0x3FFC];
	_ =	sdelay $0x3  }
0x95: {  	_ =	strace s5  }
0x96: {  	s5 =	sld [smem:$0x3FFD];
	_ =	sdelay $0x3  }
0x97: {  	_ =	strace s5  }
0x98: {  	_ =	strace $0x8FFFFFFF  }
0x99: {  	s17 =	sld [smem:$0x3FDB];
	_ =	sdelay $0x1  }
0x9a: {  	s6 =	simm.s32 $_scs_section_size  }
0x9b: {  	s7 =	simm.s32 $_size__tile_overlayer_lowered;
	s8 =	simm.s32 $_tile_overlayer_lowered  }
0x9c: {  	s20 =	simm.s32 $0x1BFF;
	s19 =	sshll.u32 s8, $0x1;
	s5 =	sadd.s32 s6, s17  }
0x9d: {  	s9 =	simm.s32 $0x0;
	s18 =	sshll.u32 s7, $0x1;
	s7 =	sadd.s32 s19, s5  }
0x9e: {  	[timem:s9], [sflag:s20] =	dma.local [hbm:s7], s18  }
0x9f: {  	_ =	swait.ge [sflag:s20], s18  }
0xa0: {  	s6 =	ssub.s32 $0x0, s18;
	[sflag:s20] =	ssyncset.done $0x0  }
0xa1: {  	[sflag:s20] =	ssyncadd.s32 s6;
	_ =	sdelay $0x1  }
0xa2: {  	s21 =	simm.s32 $0x1B8B  }
0xa3: {  	_ =	swait.ge [sflag:s21], $0x1  }
0xa4: {  	[sflag:s21] =	ssyncset.done $0x0  }
0xa5: {  	s23 =	simm.s32 $0x1B8E;
	s22 =	sld [smem:$0x3FFE];
	[sflag:s21] =	ssyncadd.s32 $0xFFFFFFFF  }
0xa6: {  	s24 =	simm.s32 $execute0_lowered;
	[smem:$0x3FD2] =	sst s23  }
0xa7: {  	s7 =	sshll.u32 s24, $0x1;
	_ =	strace $0x80000046;
	[dreg:$0x1] =	wrdreg $0xFFFFFFFF  }
0xa8: {  	s25 =	simm.s32 $_size_execute0_lowered;
	s5 =	sadd.s32 s5, s7;
	[dreg:$0x0] =	wrdreg $0x0  }
0xa9: {  	s7 =	sshll.u32 s25, $0x1;
	[dreg:$0x2] =	wrdreg s5  }
0xaa: {  	[dreg:$0x3] =	wrdreg s7  }
0xab: {  	[dreg:$0x4] =	wrdreg $0xC0  }
0xac: {  	_ =	task [dreg:s9], $0x5FFFF  }
0xad: {  	[dreg:$0x1] =	wrdreg $0xFFFFFFFF  }
0xae: {  	[dreg:$0x0] =	wrdreg $0x60  }
0xaf: {  	[dreg:$0x2] =	wrdreg s22  }
0xb0: {  	[dreg:$0x3] =	wrdreg s0  }
0xb1: {  	[dreg:$0x4] =	wrdreg s16  }
0xb2: {  	[dreg:$0x5] =	wrdreg s2  }
0xb3: {  	[dreg:$0x6] =	wrdreg s3  }
0xb4: {  	[dreg:$0x7] =	wrdreg s4  }
0xb5: {  	[dreg:$0x8] =	wrdreg $0x9  }
0xb6: {  	_ =	task.clear_ibuf [dreg:s9], $0x9FFFF;
	_ =	strace $0x90000046  }
0xb7: {  	s26 =	simm.s32 $0x9;
	_ =	strace $0x80000048  }
0xb8: {  	_ =	swait.ge [sflag:s26], $0x1  }
0xb9: {  	[sflag:s26] =	ssyncadd.s32 $0xFFFFFFFF  }
0xba: {  	_ =	strace $0x90000048  }
0xbb: {  	_ =	sfence  }
0xbc: {  	s28 =	sld [smem:$0x0];
	_ =	sdelay $0x1  }
0xbd: {  	s29 =	srdreg.scid  }
0xbe: {  	s30 =	sshll.u32 s29, $0xD;
	s31 =	sshrl.u32 s29, $0x2  }
0xbf: {  	s1 =	sand.u32 $0x1, s29;
	s2 =	sand.u32 $0x4000, s30;
	s0 =	sadd.s32 s31, s28  }
0xc0: {  	s1 =	sor.u32 s2, s1;
	s0 =	sshll.u32 s0, $0x11  }
0xc1: {  	s0 =	sor.u32 s0, s1  }
0xc2: {  	s0 =	sadd.s32 $0x8F2B, s0  }
0xc3: {  	[sflag:s0] =	ssyncadd.remote.s32 $0x1  }
0xc4: {  	_ =	sfence.sel $0xFFFF  }
0xc5: {  	[dreg:$0x0] =	wrdreg $0xFFFFFFFF;
	(pc) =	sbr.abs _section_cstart, $3  }
0xc6: {  	[dreg:$0x1] =	wrdreg $0xFFFFFFFF  }
0xc7: {  	_ =	task.clear_ibuf [dreg:s9], $0x2FFFF;
	_ =	strace $0x9FFFFFFF  }
0xc8: {  	(tm) =	ssettm $0x7FFFFFFF  }
0xc9: {  	_ =	shalt  }
tec
execute0_lowered:
.L_overlay_start_1:
0x0: {  	(tag) =	ssettag $0x1  }
0x1: {  	s5 =	rddreg [dreg:$0x0]  }
0x2: {  	s6 =	rddreg [dreg:$0x1]  }
0x3: {  	s7 =	rddreg [dreg:$0x2]  }
0x4: {  	s8 =	rddreg [dreg:$0x3];
	s0 =	stileid.u32  }
0x5: {  	s9 =	rddreg [dreg:$0x4];
	s4 =	smul.u32 $0x300, s0  }
0x6: {  	s2 =	rddreg [dreg:$0x5];
	s3 =	simm.s32 $0x0  }
0x7: {  	[smem:$0x7FF] =	sst s3;
	s4 =	sadd.s32 s4, s5  }
0x8: {  	s1 =	rddreg [dreg:$0x6];
	_ =	strace $0x80000047;
	s4 =	sadd.s32 $0xE00, s4  }
0x9: {  	[tilespmem:s3], [sflag:$0x1] =	stream.linear.gather [hbm4b:s4+s3], $0x1800, $0x38;
	[tilespmem:$0x4100] =	vst v63  }
0xa: {  	s21 =	simm.s32 $0x1800;
	s10 =	sadd.s32 $0x400, s5  }
0xb: {  	[tilespmem:s21], [sflag:$0x1] =	stream.linear.gather [hbm4b:s10+s3], $0x14, $0x38;
	[tilespmem:$0x4100] =	vst v63  }
0xc: {  	s11 =	simm.s32 $0x1820;
	s22 =	sadd.s32 $0x800, s5  }
0xd: {  	[tilespmem:s11], [sflag:$0x1] =	stream.linear.gather [hbm4b:s22+s3], $0x14, $0x38;
	[tilespmem:$0x4100] =	vst v63  }
0xe: {  	s24 =	simm.s32 $0x1840;
	s23 =	sadd.s32 $0x600, s5  }
0xf: {  	[tilespmem:s24], [sflag:$0x1] =	stream.linear.gather [hbm4b:s23+s3], $0x14, $0x38;
	[tilespmem:$0x4100] =	vst v63  }
0x10: {  	s25 =	simm.s32 $0x1860;
	s5 =	sadd.s32 $0xA00, s5  }
0x11: {  	[tilespmem:s25], [sflag:$0x1] =	stream.linear.gather [hbm4b:s5+s3], $0x14, $0x38;
	[tilespmem:$0x4100] =	vst v63  }
0x12: {  	s26 =	simm.s32 $0x1880  }
0x13: {  	[tilespmem:s26], [sflag:$0x1] =	stream.linear.gather [hbm4b:s6+s3], $0xA, $0x38;
	[tilespmem:$0x4100] =	vst v63  }
0x14: {  	s28 =	simm.s32 $0x1890  }
0x15: {  	[tilespmem:s28], [sflag:$0x1] =	stream.linear.gather [hbm4b:s7+s3], $0xA, $0x38;
	[tilespmem:$0x4100] =	vst v63  }
0x16: {  	s29 =	simm.s32 $0x18A0  }
0x17: {  	[tilespmem:s29], [sflag:$0x1] =	stream.linear.gather [hbm4b:s8+s3], $0xA, $0x38;
	[tilespmem:$0x4100] =	vst v63  }
0x18: {  	s30 =	simm.s32 $0x18B0;
	s31 =	simm.s32 $0x1  }
0x19: {  	[tilespmem:s30], [sflag:$0x1] =	stream.linear.gather [hbm4b:s9+s3], $0xA, $0x38;
	[tilespmem:$0x4100] =	vst v63  }
0x1a: {  	_ =	swait.ge [sflag:s31], $0x1800  }
0x1b: {  	[sflag:s31] =	ssyncset.done $0x0  }
0x1c: {  	[sflag:s31] =	ssyncadd.s32 $0xFFFFE800  }
0x1d: {  	_ =	swait.ge [sflag:s31], $0x14  }
0x1e: {  	[sflag:s31] =	ssyncset.done $0x0  }
0x1f: {  	[sflag:s31] =	ssyncadd.s32 $0xFFFFFFEC  }
0x20: {  	_ =	swait.ge [sflag:s31], $0x14  }
0x21: {  	[sflag:s31] =	ssyncset.done $0x0  }
0x22: {  	[sflag:s31] =	ssyncadd.s32 $0xFFFFFFEC  }
0x23: {  	_ =	swait.ge [sflag:s31], $0x14  }
0x24: {  	[sflag:s31] =	ssyncset.done $0x0  }
0x25: {  	[sflag:s31] =	ssyncadd.s32 $0xFFFFFFEC  }
0x26: {  	_ =	swait.ge [sflag:s31], $0x14  }
0x27: {  	[sflag:s31] =	ssyncset.done $0x0  }
0x28: {  	[sflag:s31] =	ssyncadd.s32 $0xFFFFFFEC  }
0x29: {  	_ =	swait.ge [sflag:s31], $0xA  }
0x2a: {  	[sflag:s31] =	ssyncset.done $0x0  }
0x2b: {  	[sflag:s31] =	ssyncadd.s32 $0xFFFFFFF6  }
0x2c: {  	_ =	swait.ge [sflag:s31], $0xA  }
0x2d: {  	[sflag:s31] =	ssyncset.done $0x0  }
0x2e: {  	[sflag:s31] =	ssyncadd.s32 $0xFFFFFFF6  }
0x2f: {  	_ =	swait.ge [sflag:s31], $0xA  }
0x30: {  	[sflag:s31] =	ssyncset.done $0x0  }
0x31: {  	[sflag:s31] =	ssyncadd.s32 $0xFFFFFFF6  }
0x32: {  	_ =	swait.ge [sflag:s31], $0xA  }
0x33: {  	[sflag:s31] =	ssyncset.done $0x0  }
0x34: {  	[sflag:s31] =	ssyncadd.s32 $0xFFFFFFF6  }
0x35: {  	v0 =	vld [tilespmem:$0x1880]  }
0x36: {  	v1 =	vld [tilespmem:$0x1890];
	_ =	sdelay $0x1  }
0x37: {  	v2 =	vld [tilespmem:$0x18A0];
	_ =	sdelay $0x1  }
0x38: {  	v3 =	vld [tilespmem:$0x18B0]  }
0x39: {  	v4 =	vadd.f32 v1, v0;
	_ =	sdelay $0x1  }
0x3a: {  	v4 =	vadd.f32 v2, v4;
	_ =	sdelay $0x1  }
0x3b: {  	v4 =	vadd.f32 v3, v4  }
0x3c: {  	v11 =	vlaneseq.u32  }
0x3d: {  	v7 =	vadd.s32 $0xA, v11;
	(erf) = vrcp.f32 v4;
	_ =	sdelay $0x3  }
0x3e: {  	v8 =	vld.idx.msk [tilespmem:v11+s21+$0x0], $0xffff  }
0x3f: {  	v5 =	vor.u32 $0x40, v11;
	v7 =	vld.idx.msk [tilespmem:v7+s21+$0x0], $0xffff  }
0x40: {  	v10 =	vadd.s32 $0x4A, v11;
	_ =	sdelay $0x1  }
0x41: {  	v9 =	vadd.s32 $0x2A, v11  }
0x42: {  	v37 =	vor.u32 $0x20, v11;
	v12 =	vpop (erf)  }
0x43: {  	v6 =	vor.u32 $0x60, v11;
	v5 =	vld.idx.msk [tilespmem:v5+s21+$0x0], $0xffff;
	v7 =	vsub.f32 v7, v8;
	v0 =	vmul.f32 v12, v0  }
0x44: {  	v11 =	vadd.s32 $0x6A, v11;
	v10 =	vld.idx.msk [tilespmem:v10+s21+$0x0], $0xffff  }
0x45: {  	v46 =	vmul.f32 v7, v0  }
0x46: {  	v9 =	vld.idx.msk [tilespmem:v9+s21+$0x0], $0xffff;
	v1 =	vmul.f32 v12, v1  }
0x47: {  	v4 =	vld.idx.msk [tilespmem:v37+s21+$0x0], $0xffff;
	v2 =	vmul.f32 v12, v2;
	v41 =	vbroadcast v46, $0x0  }
0x48: {  	v6 =	vld.idx.msk [tilespmem:v6+s21+$0x0], $0xffff;
	v3 =	vmul.f32 v12, v3;
	v50 =	vbroadcast v46, $0x1  }
0x49: {  	v11 =	vld.idx.msk [tilespmem:v11+s21+$0x0], $0xffff;
	v38 =	vmul.f32 v2, v5;
	v5 =	vsub.f32 v10, v5;
	v55 =	vbroadcast v46, $0x2;
	[tilespmem:$0x1FC40] =	vst v41  }
0x4a: {  	v13 =	vmul.f32 v0, v8;
	v60 =	vbroadcast v46, $0x3;
	[tilespmem:$0x1FC90] =	vst v50  }
0x4b: {  	v0 =	vmul.f32 v5, v2;
	v5 =	vbroadcast v46, $0x4;
	[tilespmem:$0x1FCE0] =	vst v55  }
0x4c: {  	v14 =	vmul.f32 v1, v4;
	v4 =	vsub.f32 v9, v4;
	v10 =	vbroadcast v46, $0x5;
	[tilespmem:$0x1FD30] =	vst v60  }
0x4d: {  	v40 =	vmul.f32 v6, v3;
	v15 =	vbroadcast v46, $0x6;
	[tilespmem:$0x1FD80] =	vst v5  }
0x4e: {  	v6 =	vsub.f32 v11, v6;
	v45 =	vmul.f32 v4, v1;
	v20 =	vbroadcast v46, $0x7;
	[tilespmem:$0x1FDD0] =	vst v10  }
0x4f: {  	v27 =	vbroadcast v46, $0x8;
	[tilespmem:$0x1FE20] =	vst v15  }
0x50: {  	v43 =	vmul.f32 v6, v3;
	v47 =	vbroadcast v45, $0x0;
	[tilespmem:$0x1FE70] =	vst v20  }
0x51: {  	v48 =	vbroadcast v0, $0x0;
	[tilespmem:$0x1FEC0] =	vst v27  }
0x52: {  	v49 =	vbroadcast v43, $0x0;
	[tilespmem:$0x1FC60] =	vst v47  }
0x53: {  	v52 =	vbroadcast v45, $0x1;
	[tilespmem:$0x1FC70] =	vst v48  }
0x54: {  	v53 =	vbroadcast v0, $0x1;
	[tilespmem:$0x1FC80] =	vst v49  }
0x55: {  	v54 =	vbroadcast v43, $0x1;
	[tilespmem:$0x1FCB0] =	vst v52  }
0x56: {  	v25 =	vimm.s32 $0x160C0278;
	v26 =	vimm.s32 $0x463C3228;
	v57 =	vbroadcast v45, $0x2;
	[tilespmem:$0x1FCC0] =	vst v53  }
0x57: {  	vm0 =	vcmask $0x1F10;
	v30 =	vimm.s32 $0x6F655B51;
	v58 =	vbroadcast v0, $0x2;
	[tilespmem:$0x1FCD0] =	vst v54  }
0x58: {  	v34 =	vimm.s32 $0x473D3329;
	v35 =	vimm.s32 $0x1F150B01;
	v59 =	vbroadcast v43, $0x2;
	[tilespmem:$0x1FD00] =	vst v57  }
0x59: {  	v32 =	vunpack.c.0.s8.s32 v30;
	v62 =	vbroadcast v45, $0x3;
	v63 =	vbroadcast v0, $0x3;
	[tilespmem:$0x1FD10] =	vst v58  }
0x5a: {  	v13 =	vadd.f32 v14, v13;
	v4 =	vbroadcast v43, $0x3;
	v7 =	vbroadcast v45, $0x4;
	[tilespmem:$0x1FD20] =	vst v59  }
0x5b: {  	v37 =	vimm.s32 $0x180E047A;
	v8 =	vbroadcast v0, $0x4;
	v9 =	vbroadcast v43, $0x4;
	[tilespmem:$0x1FD50] =	vst v62  }
0x5c: {  	v39 =	vadd.f32 v13, v38;
	v12 =	vbroadcast v45, $0x5;
	v13 =	vbroadcast v0, $0x5;
	[tilespmem:$0x1FD60] =	vst v63  }
0x5d: {  	v2 =	vimm.s32 $0x1A10067C;
	v14 =	vbroadcast v43, $0x5;
	v17 =	vbroadcast v45, $0x6;
	[tilespmem:$0x1FD70] =	vst v4  }
0x5e: {  	v3 =	vimm.s32 $0x22180E04;
	v18 =	vbroadcast v0, $0x6;
	v19 =	vbroadcast v43, $0x6;
	[tilespmem:$0x1FDA0] =	vst v7  }
0x5f: {  	v22 =	vbroadcast v45, $0x7;
	v23 =	vbroadcast v0, $0x7;
	v41 =	vimm.s32 $0x6E645A50;
	[tilespmem:$0x1FDB0] =	vst v8  }
0x60: {  	v24 =	vbroadcast v43, $0x7;
	v50 =	vimm.s32 $0x170D0379;
	v55 =	vunpack.c.0.s8.s32 v35;
	[tilespmem:$0x1FDC0] =	vst v9  }
0x61: {  	v5 =	vimm.s32 $0x73695F55;
	v27 =	vbroadcast v0, $0x8;
	v0 =	vbroadcast v0, $0x9;
	[tilespmem:$0x1FE40] =	vst v17  }
0x62: {  	v33 =	vunpack.c.0.s8.s32 v50;
	v44 =	vadd.f32 v39, v40;
	[tilespmem:$0x1FE50] =	vst v18;
	v47 =	vunpack.c.0.s8.s32 v41  }
0x63: {  	[tilespmem:$0x1FE90] =	vst v22;
	v48 =	vunpack.c.0.s8.s32 v25;
	v49 =	vunpack.c.0.s8.s32 v26;
	v52 =	vimm.s32 $0x70665C52  }
0x64: {  	v53 =	vimm.s32 $0x20160C02;
	v54 =	vimm.s32 $0x483E342A;
	v39 =	vimm.s32 $0x71675D53  }
0x65: {  	v41 =	vimm.s32 $0x190F057B;
	v62 =	vimm.s32 $0x72685E54;
	v4 =	vimm.s32 $0x4A40362C  }
0x66: {  	v7 =	vimm.s32 $0x23190F05;
	v8 =	vimm.s32 $0x4B41372D;
	v57 =	vimm.s32 $0x746A6056  }
0x67: {  	v17 =	vimm.s32 $0x4C42382E;
	v18 =	vimm.s32 $0x756B6157;
	v22 =	vimm.s32 $0x251B1107  }
0x68: {  	[tilespmem:$0x1FEA0] =	vst v23;
	v23 =	vimm.s32 $0x4D43392F;
	v26 =	vbroadcast v45, $0x8;
	v36 =	vunpack.c.0.s8.s32 v52  }
0x69: {  	[tilespmem:$0x1FDF0] =	vst v12;
	v52 =	vunpack.c.0.s8.s32 v37;
	v53 =	vunpack.c.0.s8.s32 v53;
	v54 =	vunpack.c.0.s8.s32 v54  }
0x6a: {  	[tilespmem:$0x1FE00] =	vst v13;
	v1 =	vunpack.c.0.s8.s32 v62;
	v9 =	vunpack.c.0.s8.s32 v57;
	v42 =	vbroadcast v44, $0x0  }
0x6b: {  	[tilespmem:$0x1FE60] =	vst v19;
	v19 =	vunpack.c.0.s8.s32 v17;
	v51 =	vbroadcast v44, $0x1;
	v56 =	vbroadcast v44, $0x2  }
0x6c: {  	[tilespmem:$0x1FE10] =	vst v14;
	v20 =	vunpack.c.0.s8.s32 v18;
	v61 =	vbroadcast v44, $0x3;
	v6 =	vbroadcast v44, $0x4  }
0x6d: {  	[tilespmem:$0x1FEB0] =	vst v24;
	v25 =	vunpack.c.0.s8.s32 v22;
	v11 =	vbroadcast v44, $0x5;
	v16 =	vbroadcast v44, $0x6  }
0x6e: {  	v21 =	vbroadcast v44, $0x7;
	v28 =	vbroadcast v44, $0x8;
	v47 =	vsel vm0, v48, v47;
	[tilespmem:$0x1FC50] =	vst v42  }
0x6f: {  	v48 =	vunpack.c.0.s8.s32 v2;
	v50 =	vsel vm0, v52, v36;
	v40 =	vsel vm0, v54, v53;
	[tilespmem:$0x1FCF0] =	vst v56  }
0x70: {  	v53 =	vunpack.c.0.s8.s32 v41;
	v52 =	vunpack.c.0.s8.s32 v5;
	v41 =	vimm.s32 $0x271D1309;
	[tilespmem:$0x1FD90] =	vst v6  }
0x71: {  	v36 =	vbroadcast v46, $0x9;
	[tilespmem:$0x1FE30] =	vst v16;
	v42 =	vimm.s32 $0x1E140A00;
	v56 =	vimm.s32 $0x493F352B  }
0x72: {  	[tilespmem:$0x1FE80] =	vst v21;
	v59 =	vcombine.low v40, v50;
	v50 =	vunpack.c.0.s8.s32 v4;
	v6 =	vimm.s32 $0x1B11077D  }
0x73: {  	v16 =	vimm.s32 $0x241A1006;
	v21 =	vimm.s32 $0x1D13097F;
	v40 =	vimm.s32 $0x776D6359  }
0x74: {  	[tilespmem:$0x1FCA0] =	vst v51;
	v51 =	vunpack.c.0.s8.s32 v42;
	v42 =	vimm.s32 $0x21170D03;
	v56 =	vunpack.c.0.s8.s32 v56  }
0x75: {  	[tilespmem:$0x1FF50] =	vst v27;
	v24 =	vunpack.c.0.s8.s32 v21;
	v54 =	vunpack.c.0.s8.s32 v42;
	v42 =	vimm.s32 $0x4F453B31  }
0x76: {  	[tilespmem:$0x1FF00] =	vst v59;
	v59 =	vbroadcast v45, $0x9;
	v29 =	vsel vm0, v49, v51;
	v49 =	vunpack.c.0.s8.s32 v34  }
0x77: {  	[tilespmem:$0x1FD40] =	vst v61;
	v31 =	vcombine.low v29, v47;
	v47 =	vsel vm0, v33, v32;
	v61 =	vsel vm0, v56, v54  }
0x78: {  	[tilespmem:$0x1FFC0] =	vst v0;
	v54 =	vunpack.c.0.s8.s32 v7;
	v56 =	vunpack.c.0.s8.s32 v8;
	v29 =	vsel vm0, v24, v20  }
0x79: {  	[tilespmem:$0x1FF40] =	vst v26;
	v32 =	vimm.s32 $0x261C1208;
	v33 =	vimm.s32 $0x4E443A30;
	v38 =	vsel vm0, v49, v55  }
0x7a: {  	[tilespmem:$0x1FDE0] =	vst v11;
	v49 =	vunpack.c.0.s8.s32 v39;
	v35 =	vunpack.c.0.s8.s32 v32;
	v58 =	vcombine.low v38, v47  }
0x7b: {  	[tilespmem:$0x1FED0] =	vst v28;
	v47 =	vsel vm0, v48, v1;
	v12 =	vsel vm0, v56, v54;
	v48 =	vunpack.c.0.s8.s32 v16  }
0x7c: {  	[tilespmem:$0x1FEE0] =	vst v31;
	v54 =	vunpack.c.0.s8.s32 v23;
	v31 =	vimm.s32 $0x766C6258;
	v56 =	vbroadcast v43, $0x8  }
0x7d: {  	[tilespmem:$0x1FF70] =	vst v36;
	v60 =	vsel vm0, v53, v49;
	v49 =	vunpack.c.0.s8.s32 v3;
	v53 =	vunpack.c.0.s8.s32 v6  }
0x7e: {  	v34 =	vunpack.c.0.s8.s32 v31;
	[tilespmem:$0x1FEF0] =	vst v58;
	v63 =	vcombine.low v61, v60;
	v58 =	vimm.s32 $0x1C12087E  }
0x7f: {  	[tilespmem:$0x1FFB0] =	vst v59;
	v48 =	vsel vm0, v19, v48;
	v30 =	vsel vm0, v54, v25;
	v54 =	vunpack.c.0.s8.s32 v33  }
0x80: {  	[tilespmem:$0x1FF90] =	vst v56;
	v61 =	vbroadcast v43, $0x9;
	v10 =	vunpack.c.0.s8.s32 v58;
	v49 =	vsel vm0, v50, v49  }
0x81: {  	v11 =	vsel vm0, v53, v52;
	v37 =	vcombine.low v30, v29;
	v38 =	vsel vm0, v51, v34;
	[tilespmem:$0x1FF10] =	vst v63  }
0x82: {  	v51 =	vunpack.c.0.s8.s32 v41;
	v58 =	vbroadcast v44, $0x9;
	v13 =	vcombine.low v49, v47;
	[tilespmem:$0x1FFD0] =	vst v61  }
0x83: {  	v14 =	vcombine.low v12, v11;
	v39 =	vsel vm0, v54, v35;
	v15 =	vsel vm0, v10, v9;
	[tilespmem:$0x1FF80] =	vst v37  }
0x84: {  	v54 =	vunpack.c.0.s8.s32 v42;
	[tilespmem:$0x1FFA0] =	vst v58;
	v28 =	vcombine.low v48, v15;
	v48 =	vunpack.c.0.s8.s32 v40  }
0x85: {  	v62 =	vcombine.low v39, v38;
	[tilespmem:$0x1FF20] =	vst v13  }
0x86: {  	[tilespmem:$0x1FF30] =	vst v14;
	v60 =	vsel vm0, v54, v51;
	v48 =	vsel vm0, v55, v48  }
0x87: {  	[tilespmem:$0x1FFE0] =	vst v62;
	v63 =	vcombine.low v60, v48  }
0x88: {  	[tilespmem:$0x1FF60] =	vst v28  }
0x89: {  	s4 =	simm.s32 $0x125;
	s5 =	simm.s32 $0x1E0;
	s6 =	simm.s32 $0x1900;
	[tilespmem:$0x1FFF0] =	vst v63  }
.LBB2_1:
0x8a: {  	v24 =	vld [tilespmem:$0x1FC40]  }
0x8b: {  	v33 =	vld [tilespmem:$0x1FC90]  }
0x8c: {  	v20 =	vld [tilespmem:$0x1FC50]  }
0x8d: {  	v25 =	vld [tilespmem:$0x1FC60]  }
0x8e: {  	v37 =	vld [tilespmem:$0x1FCA0]  }
0x8f: {  	v12 =	vld [tilespmem:$0x1FCB0]  }
0x90: {  	v27 =	vld [tilespmem:$0x1FC70]  }
0x91: {  	v1 =	vlaneseq.u32;
	v14 =	vld [tilespmem:$0x1FCC0]  }
0x92: {  	v28 =	vld [tilespmem:$0x1FC80];
	v61 =	vmul.u32 $0x6, v1  }
0x93: {  	s7 =	sadd.s32 $0xFFFFFEDE, s4;
	v62 =	vld [tilespmem:$0x1FCD0]  }
0x94: {  	s14 =	sadd.s32 $0xFFFFFEDD, s4;
	v2 =	vld [tilespmem:$0x1FEE0];
	v0 =	vadd.s32 s7, v61  }
0x95: {  	s15 =	sadd.s32 $0xFFFFFEDF, s4;
	v30 =	vld [tilespmem:$0x1FCE0];
	v43 =	vadd.s32 s14, v61  }
0x96: {  	s16 =	sadd.s32 $0xFFFFFEE0, s4;
	v5 =	vld [tilespmem:$0x1FD30];
	v44 =	vadd.s32 s15, v61  }
0x97: {  	v29 =	vld [tilespmem:$0x1FCF0];
	v45 =	vadd.s32 s16, v61  }
0x98: {  	v31 =	vld [tilespmem:$0x1FD00]  }
0x99: {  	v0 =	vld.idx.msk [tilespmem:v0+s3+$0x0], $0xffff  }
0x9a: {  	v43 =	vld.idx.msk [tilespmem:v43+s3+$0x0], $0xffff  }
0x9b: {  	v44 =	vld.idx.msk [tilespmem:v44+s3+$0x0], $0xffff  }
0x9c: {  	v8 =	vld.idx.msk [tilespmem:v45+s3+$0x0], $0xffff  }
0x9d: {  	v23 =	vld [tilespmem:$0x1FD40]  }
0x9e: {  	v35 =	vld [tilespmem:$0x1FD50]  }
0x9f: {  	v32 =	vld [tilespmem:$0x1FEF0];
	v51 =	vcvt.s32.f32 v0  }
0xa0: {  	v34 =	vld [tilespmem:$0x1FD10];
	v53 =	vcvt.s32.f32 v43;
	v59 =	vcvt.s32.f32 v44  }
0xa1: {  	v49 =	vld [tilespmem:$0x1FD70];
	v60 =	vcvt.s32.f32 v8;
	v9 =	vmul.f32 v51, v24  }
0xa2: {  	v6 =	vld [tilespmem:$0x1FF00];
	v10 =	vmul.f32 v51, v33;
	v11 =	vmul.f32 v53, v25  }
0xa3: {  	v54 =	vld [tilespmem:$0x1FD80];
	v0 =	vmul.u32 $0xA, v1;
	v46 =	vmul.f32 v53, v12;
	v13 =	vmul.f32 v59, v27  }
0xa4: {  	s17 =	sadd.s32 $0xFFFFFE20, s5;
	v40 =	vld [tilespmem:$0x1FDA0];
	v15 =	vmul.f32 v59, v14;
	v16 =	vmul.f32 v60, v28  }
0xa5: {  	v63 =	vld [tilespmem:$0x1FDF0];
	v47 =	vadd.s32 s17, v0;
	v17 =	vmul.f32 v60, v62;
	v18 =	vmul.f32 v51, v30  }
0xa6: {  	v4 =	vor.u32 $0x1, v0;
	v36 =	vmul.f32 v59, v34;
	v34 =	vld [tilespmem:$0x1FD90];
	v45 =	vadd.f32 v10, v37  }
0xa7: {  	v19 =	vmul.f32 v51, v5;
	v22 =	vmul.f32 v53, v31;
	v12 =	vld [tilespmem:$0x1FF10];
	v43 =	vadd.f32 v9, v20  }
0xa8: {  	v38 =	vadd.s32 $0x2, v0;
	v50 =	vmul.f32 v60, v49;
	v49 =	vld [tilespmem:$0x1FE90];
	v45 =	vadd.f32 v46, v45  }
0xa9: {  	v55 =	vmul.f32 v51, v54;
	v47 =	vand.u32 $0x7F80, v47;
	v9 =	vld [tilespmem:$0x1FDD0];
	v43 =	vadd.f32 v11, v43  }
0xaa: {  	v21 =	vadd.s32 s17, v4;
	v44 =	vadd.f32 v19, v23;
	v23 =	vld [tilespmem:$0x1FDE0];
	v45 =	vadd.f32 v15, v45  }
0xab: {  	v48 =	vadd.s32 s17, v38;
	v2 =	vor.u32 v2, v47;
	v10 =	vld [tilespmem:$0x1FDB0];
	v43 =	vadd.f32 v13, v43  }
0xac: {  	v47 =	vand.u32 $0x7F80, v48;
	v3 =	vadd.f32 v17, v45;
	v45 =	vand.u32 $0x7F80, v21;
	v21 =	vld [tilespmem:$0x1FD60]  }
0xad: {  	v58 =	vmul.f32 v53, v40;
	v19 =	vld [tilespmem:$0x1FE00];
	v6 =	vor.u32 v6, v47;
	v1 =	vadd.f32 v16, v43  }
0xae: {  	[tilespmem:$0x1FC10] =	vst v4;
	v47 =	vld [tilespmem:$0x1FE50];
	v43 =	vadd.f32 v18, v29;
	v4 =	vor.u32 v32, v45;
	v45 =	vadd.f32 v55, v34  }
0xaf: {  	v26 =	vmul.f32 v53, v35;
	v8 =	vadd.s32 $0x3, v0;
	v55 =	vld [tilespmem:$0x1FE70]  }
0xb0: {  	v13 =	vmul.f32 v59, v10;
	v43 =	vadd.f32 v22, v43;
	v22 =	vld [tilespmem:$0x1FDC0];
	v45 =	vadd.f32 v58, v45  }
0xb1: {  	v44 =	vadd.f32 v26, v44;
	v56 =	vmul.f32 v51, v9;
	v32 =	vld [tilespmem:$0x1FD20];
	v39 =	vmul.f32 v59, v21  }
0xb2: {  	v14 =	vadd.s32 $0x4, v0;
	v57 =	vadd.s32 s17, v8;
	v45 =	vadd.f32 v13, v45;
	v13 =	vld [tilespmem:$0x1FE80]  }
0xb3: {  	v46 =	vand.u32 $0x7F80, v57;
	v48 =	vadd.f32 v56, v23;
	v56 =	vld [tilespmem:$0x1FE20];
	v44 =	vadd.f32 v39, v44  }
0xb4: {  	[tilespmem:$0x1FC30] =	vst v8;
	v8 =	vmul.f32 v53, v63;
	v57 =	vld [tilespmem:$0x1FE30];
	v9 =	vor.u32 v12, v46;
	v15 =	vmul.f32 v59, v19  }
0xb5: {  	[tilespmem:$0x1FC20] =	vst v38;
	v38 =	vmul.f32 v51, v55;
	v18 =	vmul.f32 v60, v22;
	v7 =	vadd.f32 v50, v44;
	v50 =	vld [tilespmem:$0x1FE40]  }
0xb6: {  	[tilespmem:$0x1FBB0] =	vst v14;
	v11 =	vld [tilespmem:$0x1FE10];
	v16 =	vadd.s32 s17, v14;
	v14 =	vadd.s32 $0x5, v0;
	v43 =	vadd.f32 v36, v43  }
0xb7: {  	v41 =	vmul.f32 v60, v32;
	v10 =	vadd.f32 v18, v45;
	v45 =	vadd.f32 v38, v13;
	v38 =	vld [tilespmem:$0x1FEA0]  }
0xb8: {  	v12 =	vld [tilespmem:$0x1FF20];
	v46 =	vand.u32 $0x7F80, v16;
	v58 =	vadd.s32 $0x6, v0;
	v17 =	vmul.f32 v51, v56  }
0xb9: {  	v8 =	vadd.f32 v8, v48;
	v63 =	vadd.s32 s17, v58;
	v5 =	vadd.f32 v41, v43;
	v18 =	vld [tilespmem:$0x1FEB0]  }
0xba: {  	[tilespmem:$0x1FBD0] =	vst v58;
	v58 =	vld [tilespmem:$0x1FED0];
	v48 =	vadd.f32 v17, v57;
	v41 =	vmul.f32 v53, v49;
	v36 =	vmul.f32 v53, v50  }
0xbb: {  	v26 =	vmul.f32 v60, v11;
	v42 =	vadd.s32 s17, v14;
	v8 =	vadd.f32 v15, v8;
	v15 =	vld [tilespmem:$0x1FF30]  }
0xbc: {  	[tilespmem:$0x1FBC0] =	vst v14;
	v52 =	vmul.f32 v59, v38;
	v11 =	vadd.f32 v36, v48;
	v36 =	vld [tilespmem:$0x1FE60];
	v48 =	vadd.f32 v41, v45  }
0xbd: {  	[tilespmem:v2+s6+$0x0] =	vst.idx.msk $0xffff, v1;
	v8 =	vadd.f32 v26, v8;
	v39 =	vmul.f32 v59, v47;
	v17 =	vld [tilespmem:$0x1FF60];
	v13 =	vand.u32 $0x7F80, v42  }
0xbe: {  	[tilespmem:v4+s6+$0x0] =	vst.idx.msk $0xffff, v3;
	v42 =	vand.u32 $0x7F80, v63;
	v63 =	vld [tilespmem:$0x1FF80];
	v26 =	vmul.f32 v60, v18;
	v14 =	vadd.f32 v52, v48  }
0xbf: {  	v12 =	vor.u32 v12, v46;
	[tilespmem:v6+s6+$0x0] =	vst.idx.msk $0xffff, v5;
	v11 =	vadd.f32 v39, v11;
	v39 =	vld [tilespmem:$0x1FEC0]  }
0xc0: {  	[tilespmem:v9+s6+$0x0] =	vst.idx.msk $0xffff, v7;
	v45 =	vld [tilespmem:$0x1FF40];
	v41 =	vadd.s32 $0x9, v0;
	v14 =	vadd.f32 v26, v14;
	v26 =	vadd.s32 $0x8, v0  }
0xc1: {  	[tilespmem:$0x1FBF0] =	vst v41;
	v9 =	vadd.s32 s17, v41;
	v41 =	vld [tilespmem:$0x1FFC0];
	v43 =	vmul.f32 v60, v36;
	v46 =	vadd.s32 s17, v26  }
0xc2: {  	v52 =	vadd.s32 $0x7, v0;
	v2 =	vand.u32 $0x7F80, v46;
	v46 =	vld [tilespmem:$0x1FFB0]  }
0xc3: {  	v48 =	vld [tilespmem:$0x1FF70];
	v11 =	vadd.f32 v43, v11;
	v43 =	vadd.s32 s17, v52  }
0xc4: {  	v16 =	vmul.f32 v51, v39;
	v44 =	vand.u32 $0x7F80, v43;
	v43 =	vld [tilespmem:$0x1FF90]  }
0xc5: {  	v1 =	vor.u32 v63, v44;
	v63 =	vld [tilespmem:$0x1FFA0]  }
0xc6: {  	v18 =	vmul.f32 v53, v45;
	v16 =	vadd.f32 v16, v58;
	v44 =	vld [tilespmem:$0x1FF50]  }
0xc7: {  	[tilespmem:$0x1FBE0] =	vst v26;
	v26 =	vmul.f32 v53, v46;
	v53 =	vld [tilespmem:$0x1FFE0]  }
0xc8: {  	v51 =	vmul.f32 v51, v48;
	v3 =	vadd.f32 v18, v16;
	v18 =	vld [tilespmem:$0x1FFF0]  }
0xc9: {  	v13 =	vor.u32 v15, v13;
	v15 =	vor.u32 v17, v42;
	v42 =	vld [tilespmem:$0x1FFD0]  }
0xca: {  	v4 =	vadd.f32 v51, v63  }
0xcb: {  	[tilespmem:v12+s6+$0x0] =	vst.idx.msk $0xffff, v10;
	v7 =	vand.u32 $0x7F80, v9;
	v51 =	vmul.f32 v59, v44  }
0xcc: {  	v16 =	vmul.f32 v59, v41;
	v2 =	vor.u32 v53, v2;
	v4 =	vadd.f32 v26, v4  }
0xcd: {  	s18 =	sadd.s32 $0xFFFFFF3E, s4;
	v17 =	vmul.f32 v60, v43;
	v3 =	vadd.f32 v51, v3;
	v7 =	vor.u32 v18, v7  }
0xce: {  	s19 =	sadd.s32 $0xFFFFFF3D, s4;
	[tilespmem:v13+s6+$0x0] =	vst.idx.msk $0xffff, v8;
	v26 =	vmul.f32 v60, v42;
	v51 =	vadd.s32 s18, v61;
	v4 =	vadd.f32 v16, v4  }
0xcf: {  	s20 =	sadd.s32 $0xFFFFFF3F, s4;
	[tilespmem:v15+s6+$0x0] =	vst.idx.msk $0xffff, v11;
	v59 =	vadd.s32 s19, v61;
	v3 =	vadd.f32 v17, v3  }
0xd0: {  	[tilespmem:v1+s6+$0x0] =	vst.idx.msk $0xffff, v14;
	v60 =	vadd.s32 s20, v61;
	v53 =	vadd.f32 v26, v4  }
0xd1: {  	s21 =	sadd.s32 $0xFFFFFF40, s4;
	[tilespmem:v2+s6+$0x0] =	vst.idx.msk $0xffff, v3  }
0xd2: {  	v9 =	vadd.s32 s21, v61;
	[tilespmem:v7+s6+$0x0] =	vst.idx.msk $0xffff, v53  }
0xd3: {  	v3 =	vld.idx.msk [tilespmem:v51+s3+$0x0], $0xffff  }
0xd4: {  	v2 =	vld.idx.msk [tilespmem:v59+s3+$0x0], $0xffff  }
0xd5: {  	v1 =	vld.idx.msk [tilespmem:v60+s3+$0x0], $0xffff;
	_ =	sdelay $0x1  }
0xd6: {  	v4 =	vld.idx.msk [tilespmem:v9+s3+$0x0], $0xffff;
	_ =	sdelay $0x1  }
0xd7: {  	v3 =	vcvt.s32.f32 v3  }
0xd8: {  	v2 =	vcvt.s32.f32 v2;
	v1 =	vcvt.s32.f32 v1  }
0xd9: {  	v10 =	vmul.f32 v3, v24;
	v14 =	vmul.f32 v3, v30  }
0xda: {  	v26 =	vld [tilespmem:$0x1FCB0];
	v4 =	vcvt.s32.f32 v4;
	v11 =	vmul.f32 v3, v33  }
0xdb: {  	v12 =	vmul.f32 v2, v25;
	v5 =	vadd.f32 v10, v20;
	v10 =	vadd.f32 v14, v29;
	v29 =	vld [tilespmem:$0x1FD30]  }
0xdc: {  	v25 =	vmovc v37;
	v15 =	vmul.f32 v1, v27;
	v6 =	vadd.f32 v11, v37;
	v37 =	vmov v27;
	v27 =	vld [tilespmem:$0x1FCC0]  }
0xdd: {  	v18 =	vmul.f32 v4, v28;
	v28 =	vld [tilespmem:$0x1FD40]  }
0xde: {  	v5 =	vadd.f32 v12, v5  }
0xdf: {  	v13 =	vmul.f32 v2, v26;
	v17 =	vmul.f32 v2, v31  }
0xe0: {  	v51 =	vmovc v20;
	v24 =	vmul.f32 v4, v62;
	v5 =	vadd.f32 v15, v5;
	v20 =	vmul.f32 v3, v29  }
0xe1: {  	v31 =	vld [tilespmem:$0x1FD10];
	v59 =	vmul.f32 v2, v35;
	v6 =	vadd.f32 v13, v6;
	v16 =	vmul.f32 v1, v27  }
0xe2: {  	v5 =	vadd.f32 v18, v5;
	v18 =	vmul.f32 v4, v32;
	v32 =	vld [tilespmem:$0x1FDD0];
	v12 =	vadd.f32 v20, v28  }
0xe3: {  	v30 =	vmovc v62;
	v62 =	vmovc v35;
	v35 =	vmov v54;
	v6 =	vadd.f32 v16, v6;
	v16 =	vmul.f32 v3, v54;
	v54 =	vld [tilespmem:$0x1FDB0]  }
0xe4: {  	v21 =	vmul.f32 v1, v21;
	v20 =	vadd.f32 v59, v12  }
0xe5: {  	v6 =	vadd.f32 v24, v6;
	v7 =	vadd.f32 v16, v34;
	v24 =	vmul.f32 v2, v40  }
0xe6: {  	v10 =	vadd.f32 v17, v10;
	v53 =	vmul.f32 v1, v31;
	v11 =	vadd.f32 v21, v20;
	v21 =	vld [tilespmem:$0x1FD70]  }
0xe7: {  	v34 =	vmul.f32 v3, v32;
	v7 =	vadd.f32 v24, v7;
	v24 =	vld [tilespmem:$0x1FDF0]  }
0xe8: {  	v17 =	vadd.f32 v53, v10;
	v53 =	vmul.f32 v1, v54  }
0xe9: {  	v10 =	vadd.f32 v34, v23;
	v23 =	vmul.f32 v3, v56;
	v34 =	vmul.f32 v4, v22  }
0xea: {  	v60 =	vld [tilespmem:$0x1FC10]  }
0xeb: {  	s22 =	sadd.s32 $0xFFFFFEC0, s5;
	v7 =	vadd.f32 v53, v7;
	v53 =	vmul.f32 v2, v50;
	v12 =	vadd.f32 v23, v57  }
0xec: {  	v9 =	vadd.s32 s22, v0;
	v20 =	vld [tilespmem:$0x1FC20];
	v40 =	vmul.f32 v4, v21;
	v59 =	vmul.f32 v2, v24  }
0xed: {  	v15 =	vmul.f32 v1, v47;
	v7 =	vadd.f32 v34, v7;
	v12 =	vadd.f32 v53, v12;
	v34 =	vmovc v47;
	v47 =	vld [tilespmem:$0x1FE80]  }
0xee: {  	v11 =	vadd.f32 v40, v11;
	v10 =	vadd.f32 v59, v10;
	v40 =	vmul.f32 v1, v19  }
0xef: {  	v14 =	vadd.s32 s22, v60;
	v22 =	vld [tilespmem:$0x1FBB0];
	v12 =	vadd.f32 v15, v12;
	v15 =	vmul.f32 v4, v36  }
0xf0: {  	v19 =	vld [tilespmem:$0x1FC30];
	v59 =	vmul.f32 v3, v55;
	v10 =	vadd.f32 v40, v10;
	v40 =	vmul.f32 v2, v49  }
0xf1: {  	[tilespmem:v9+s6+$0x0] =	vst.idx.msk $0xffff, v5;
	v23 =	vld [tilespmem:$0x1FE10];
	v9 =	vadd.f32 v15, v12;
	v12 =	vmul.f32 v3, v39  }
0xf2: {  	v16 =	vadd.s32 s22, v20;
	v36 =	vld [tilespmem:$0x1FBC0];
	v13 =	vadd.f32 v59, v47  }
0xf3: {  	v3 =	vmul.f32 v3, v48;
	v48 =	vld [tilespmem:$0x1FBD0];
	v12 =	vadd.f32 v12, v58;
	v58 =	vmul.f32 v2, v45  }
0xf4: {  	v53 =	vmul.f32 v1, v38;
	v13 =	vadd.f32 v40, v13;
	v40 =	vmov v38;
	v38 =	vld [tilespmem:$0x1FEB0]  }
0xf5: {  	v8 =	vadd.f32 v18, v17;
	[tilespmem:v14+s6+$0x0] =	vst.idx.msk $0xffff, v6;
	v18 =	vadd.s32 s22, v19;
	v12 =	vadd.f32 v58, v12;
	v58 =	vld [tilespmem:$0x1FBE0]  }
0xf6: {  	v17 =	vmul.f32 v4, v23;
	v59 =	vadd.s32 s22, v22;
	v45 =	vmovc v63;
	v3 =	vadd.f32 v3, v63;
	v63 =	vld [tilespmem:$0x1FBF0]  }
0xf7: {  	[tilespmem:v16+s6+$0x0] =	vst.idx.msk $0xffff, v8;
	v16 =	vadd.s32 s22, v52;
	v2 =	vmul.f32 v2, v46;
	v5 =	vadd.s32 s22, v36  }
0xf8: {  	v10 =	vadd.f32 v17, v10;
	v17 =	vmul.f32 v1, v44;
	v6 =	vadd.s32 s22, v48  }
0xf9: {  	[tilespmem:$0x1FC00] =	vst v52;
	v1 =	vmul.f32 v1, v41;
	v44 =	vmul.f32 v4, v43;
	v2 =	vadd.f32 v2, v3  }
0xfa: {  	v13 =	vadd.f32 v53, v13;
	[tilespmem:v18+s6+$0x0] =	vst.idx.msk $0xffff, v11;
	v53 =	vmul.f32 v4, v38;
	v18 =	vadd.s32 s22, v58  }
0xfb: {  	s23 =	sadd.s32 $0xFFFFFF9E, s4;
	v41 =	vadd.f32 v17, v12;
	v1 =	vadd.f32 v1, v2;
	v52 =	vadd.s32 s22, v63;
	[tilespmem:v59+s6+$0x0] =	vst.idx.msk $0xffff, v7  }
0xfc: {  	s24 =	sadd.s32 $0xFFFFFF9D, s4;
	v59 =	vadd.s32 s23, v61;
	[tilespmem:v5+s6+$0x0] =	vst.idx.msk $0xffff, v10;
	v13 =	vadd.f32 v53, v13;
	v53 =	vmul.f32 v4, v42  }
0xfd: {  	s25 =	sadd.s32 $0xFFFFFF9F, s4;
	v3 =	vadd.f32 v44, v41;
	v7 =	vadd.s32 s24, v61;
	[tilespmem:v6+s6+$0x0] =	vst.idx.msk $0xffff, v9  }
0xfe: {  	v8 =	vadd.s32 s25, v61;
	[tilespmem:v16+s6+$0x0] =	vst.idx.msk $0xffff, v13;
	v1 =	vadd.f32 v53, v1  }
0xff: {  	[tilespmem:v18+s6+$0x0] =	vst.idx.msk $0xffff, v3  }
0x100: {  	[tilespmem:v52+s6+$0x0] =	vst.idx.msk $0xffff, v1  }
0x101: {  	v3 =	vld.idx.msk [tilespmem:v59+s3+$0x0], $0xffff  }
0x102: {  	s26 =	sadd.s32 $0xFFFFFFA0, s4;
	v2 =	vld.idx.msk [tilespmem:v7+s3+$0x0], $0xffff  }
0x103: {  	v9 =	vadd.s32 s26, v61;
	v1 =	vld.idx.msk [tilespmem:v8+s3+$0x0], $0xffff;
	_ =	sdelay $0x3  }
0x104: {  	v41 =	vld [tilespmem:$0x1FC40];
	v3 =	vcvt.s32.f32 v3;
	v2 =	vcvt.s32.f32 v2  }
0x105: {  	v4 =	vld.idx.msk [tilespmem:v9+s3+$0x0], $0xffff;
	v1 =	vcvt.s32.f32 v1  }
0x106: {  	v12 =	vmul.f32 v3, v33;
	v14 =	vmul.f32 v2, v26;
	v26 =	vld [tilespmem:$0x1FCE0]  }
0x107: {  	v18 =	vmul.f32 v1, v27;
	v27 =	vld [tilespmem:$0x1FD00]  }
0x108: {  	v7 =	vadd.f32 v12, v25;
	v25 =	vld [tilespmem:$0x1FCF0];
	_ =	sdelay $0x2  }
0x109: {  	v15 =	vmul.f32 v3, v26  }
0x10a: {  	v4 =	vcvt.s32.f32 v4;
	v10 =	vmul.f32 v3, v41  }
0x10b: {  	v17 =	vmul.f32 v3, v29;
	v29 =	vmul.f32 v2, v27;
	v6 =	vadd.f32 v15, v25  }
0x10c: {  	v44 =	vmovc v51;
	v13 =	vmul.f32 v1, v37;
	v52 =	vmul.f32 v1, v31;
	v5 =	vadd.f32 v10, v51;
	v51 =	vld [tilespmem:$0x1FC60]  }
0x10d: {  	v59 =	vmul.f32 v3, v35;
	v35 =	vld [tilespmem:$0x1FD90];
	v7 =	vadd.f32 v14, v7;
	v6 =	vadd.f32 v29, v6  }
0x10e: {  	v37 =	vmul.f32 v2, v62;
	v62 =	vmul.f32 v4, v21;
	v21 =	vld [tilespmem:$0x1FDA0]  }
0x10f: {  	v42 =	vmul.f32 v4, v30;
	v7 =	vadd.f32 v18, v7;
	v6 =	vadd.f32 v52, v6;
	v52 =	vld [tilespmem:$0x1FDE0]  }
0x110: {  	v8 =	vadd.f32 v17, v28;
	v28 =	vld [tilespmem:$0x1FD60]  }
0x111: {  	s28 =	sadd.s32 $0xFFFFFF60, s5;
	v11 =	vmul.f32 v2, v51;
	v7 =	vadd.f32 v42, v7;
	v42 =	vld [tilespmem:$0x1FD20]  }
0x112: {  	v12 =	vadd.s32 s28, v20;
	v20 =	vmul.f32 v3, v32  }
0x113: {  	v33 =	vld [tilespmem:$0x1FC80];
	v5 =	vadd.f32 v11, v5  }
0x114: {  	v8 =	vadd.f32 v37, v8;
	v14 =	vadd.s32 s28, v19;
	v15 =	vadd.f32 v20, v52;
	v20 =	vld [tilespmem:$0x1FE00]  }
0x115: {  	v19 =	vld [tilespmem:$0x1FDC0];
	v18 =	vmul.f32 v2, v21;
	v5 =	vadd.f32 v13, v5;
	v13 =	vadd.f32 v59, v35  }
0x116: {  	v53 =	vmul.f32 v1, v28;
	v11 =	vadd.s32 s28, v60;
	v60 =	vmul.f32 v4, v42  }
0x117: {  	v37 =	vmul.f32 v1, v54;
	v59 =	vmul.f32 v2, v24;
	v29 =	vadd.f32 v18, v13  }
0x118: {  	v16 =	vmul.f32 v4, v33;
	v8 =	vadd.f32 v53, v8;
	v53 =	vmul.f32 v3, v55  }
0x119: {  	v10 =	vadd.f32 v37, v29;
	v15 =	vadd.f32 v59, v15;
	v37 =	vmul.f32 v1, v20  }
0x11a: {  	v5 =	vadd.f32 v16, v5;
	v6 =	vadd.f32 v60, v6;
	v60 =	vmovc v24;
	v24 =	vmul.f32 v4, v19  }
0x11b: {  	v29 =	vmul.f32 v3, v56;
	v15 =	vadd.f32 v37, v15;
	v37 =	vmul.f32 v4, v23  }
0x11c: {  	v16 =	vadd.f32 v53, v47;
	v18 =	vmul.f32 v2, v49;
	v10 =	vadd.f32 v24, v10  }
0x11d: {  	v24 =	vadd.f32 v29, v57;
	v15 =	vadd.f32 v37, v15;
	v37 =	vld [tilespmem:$0x1FE60]  }
0x11e: {  	v9 =	vadd.s32 s28, v0;
	v16 =	vadd.f32 v18, v16;
	v18 =	vld [tilespmem:$0x1FED0];
	v29 =	vmul.f32 v2, v50  }
0x11f: {  	v8 =	vadd.f32 v62, v8;
	v62 =	vmov v57;
	v53 =	vld [tilespmem:$0x1FF40];
	v57 =	vmov v50  }
0x120: {  	v50 =	vmovc v34;
	v13 =	vadd.f32 v29, v24;
	v29 =	vmul.f32 v1, v34;
	v34 =	vmul.f32 v1, v40  }
0x121: {  	v59 =	vadd.s32 s28, v22;
	v40 =	vmul.f32 v4, v38;
	v24 =	vmovc v22;
	v22 =	vmul.f32 v3, v39  }
0x122: {  	v13 =	vadd.f32 v29, v13;
	v16 =	vadd.f32 v34, v16;
	v17 =	vmul.f32 v4, v37;
	v37 =	vld [tilespmem:$0x1FF70]  }
0x123: {  	[tilespmem:v9+s6+$0x0] =	vst.idx.msk $0xffff, v5;
	v9 =	vadd.s32 s28, v36;
	v29 =	vadd.f32 v22, v18  }
0x124: {  	v34 =	vmovc v36;
	v36 =	vld [tilespmem:$0x1FC00];
	v5 =	vadd.f32 v17, v13;
	v13 =	vadd.f32 v40, v16;
	v40 =	vmul.f32 v2, v53  }
0x125: {  	[tilespmem:v11+s6+$0x0] =	vst.idx.msk $0xffff, v7;
	v7 =	vadd.s32 s28, v48;
	v22 =	vmov v48;
	v48 =	vld [tilespmem:$0x1FF50]  }
0x126: {  	[tilespmem:v12+s6+$0x0] =	vst.idx.msk $0xffff, v6;
	v17 =	vadd.f32 v40, v29;
	v40 =	vld [tilespmem:$0x1FFC0]  }
0x127: {  	[tilespmem:v14+s6+$0x0] =	vst.idx.msk $0xffff, v8;
	v3 =	vmul.f32 v3, v37  }
0x128: {  	[tilespmem:v59+s6+$0x0] =	vst.idx.msk $0xffff, v10;
	v59 =	vmov v43;
	v16 =	vmul.f32 v4, v43;
	v43 =	vld [tilespmem:$0x1FFD0]  }
0x129: {  	v2 =	vmul.f32 v2, v46;
	v3 =	vadd.f32 v3, v45  }
0x12a: {  	v6 =	vadd.s32 s28, v36;
	v29 =	vmul.f32 v1, v48  }
0x12b: {  	v2 =	vadd.f32 v2, v3;
	v3 =	vadd.s32 s28, v58;
	v1 =	vmul.f32 v1, v40  }
0x12c: {  	s29 =	sadd.s32 $0xFFFFFFFE, s4;
	v14 =	vadd.f32 v29, v17;
	v17 =	vadd.s32 s28, v63  }
0x12d: {  	s30 =	sadd.s32 $0xFFFFFFFD, s4;
	[tilespmem:v9+s6+$0x0] =	vst.idx.msk $0xffff, v15;
	v9 =	vadd.s32 s29, v61;
	v29 =	vmul.f32 v4, v43;
	v1 =	vadd.f32 v1, v2  }
0x12e: {  	s31 =	sadd.s32 $0xFFFFFFFF, s4;
	v12 =	vadd.s32 s30, v61;
	[tilespmem:v7+s6+$0x0] =	vst.idx.msk $0xffff, v5;
	v10 =	vadd.f32 v16, v14  }
0x12f: {  	[tilespmem:v6+s6+$0x0] =	vst.idx.msk $0xffff, v13;
	v13 =	vadd.s32 s31, v61;
	v1 =	vadd.f32 v29, v1  }
0x130: {  	v14 =	vadd.s32 s4, v61;
	[tilespmem:v3+s6+$0x0] =	vst.idx.msk $0xffff, v10  }
0x131: {  	[tilespmem:v17+s6+$0x0] =	vst.idx.msk $0xffff, v1  }
0x132: {  	v1 =	vld.idx.msk [tilespmem:v9+s3+$0x0], $0xffff  }
0x133: {  	v2 =	vld.idx.msk [tilespmem:v12+s3+$0x0], $0xffff  }
0x134: {  	v3 =	vld.idx.msk [tilespmem:v13+s3+$0x0], $0xffff  }
0x135: {  	v4 =	vld.idx.msk [tilespmem:v14+s3+$0x0], $0xffff  }
0x136: {  	v17 =	vld [tilespmem:$0x1FC90]  }
0x137: {  	v29 =	vld [tilespmem:$0x1FC70]  }
0x138: {  	v1 =	vcvt.s32.f32 v1  }
0x139: {  	v2 =	vcvt.s32.f32 v2;
	v3 =	vcvt.s32.f32 v3  }
0x13a: {  	v4 =	vcvt.s32.f32 v4;
	v15 =	vmul.f32 v1, v41  }
0x13b: {  	v16 =	vmul.f32 v2, v51;
	v7 =	vmul.f32 v1, v17;
	v41 =	vld [tilespmem:$0x1FCA0]  }
0x13c: {  	v6 =	vmul.f32 v3, v29;
	v14 =	vmul.f32 v2, v27;
	v27 =	vld [tilespmem:$0x1FD50]  }
0x13d: {  	v0 =	vadd.s32 s5, v0;
	v12 =	vld [tilespmem:$0x1FCC0];
	v51 =	vmul.f32 v1, v26;
	v13 =	vmul.f32 v4, v33  }
0x13e: {  	v29 =	vmul.f32 v4, v42;
	v33 =	vmul.f32 v3, v28;
	v5 =	vadd.f32 v15, v44;
	v44 =	vld [tilespmem:$0x1FCB0]  }
0x13f: {  	v54 =	vmul.f32 v3, v54;
	v28 =	vmul.f32 v3, v20;
	v9 =	vadd.f32 v51, v25;
	v51 =	vld [tilespmem:$0x1FC20]  }
0x140: {  	v15 =	vmul.f32 v4, v30;
	v25 =	vmul.f32 v3, v31;
	v31 =	vld [tilespmem:$0x1FC10];
	v5 =	vadd.f32 v16, v5  }
0x141: {  	v16 =	vld [tilespmem:$0x1FD30];
	v7 =	vadd.f32 v7, v41;
	v10 =	vmul.f32 v2, v27;
	v41 =	vmul.f32 v2, v21  }
0x142: {  	v26 =	vld [tilespmem:$0x1FD40];
	v17 =	vadd.f32 v14, v9;
	v21 =	vmul.f32 v2, v60;
	v60 =	vmul.f32 v4, v59  }
0x143: {  	v30 =	vld [tilespmem:$0x1FD80];
	v5 =	vadd.f32 v6, v5;
	v8 =	vmul.f32 v2, v44;
	v44 =	vmul.f32 v1, v32  }
0x144: {  	v14 =	vadd.s32 s5, v51;
	v32 =	vmul.f32 v1, v55;
	v55 =	vadd.s32 s5, v36  }
0x145: {  	v27 =	vld [tilespmem:$0x1FC30];
	v5 =	vadd.f32 v13, v5;
	v61 =	vadd.f32 v8, v7;
	v7 =	vmul.f32 v3, v12  }
0x146: {  	v11 =	vmul.f32 v1, v16;
	v8 =	vadd.f32 v25, v17;
	v12 =	vadd.s32 s5, v31  }
0x147: {  	v25 =	vmul.f32 v4, v19;
	v31 =	vmul.f32 v4, v23;
	v6 =	vadd.f32 v7, v61  }
0x148: {  	v7 =	vadd.f32 v11, v26;
	v11 =	vmul.f32 v1, v30;
	v26 =	vmul.f32 v1, v56  }
0x149: {  	v42 =	vld [tilespmem:$0x1FD70];
	v61 =	vadd.f32 v44, v52;
	v30 =	vmul.f32 v2, v57;
	v44 =	vmul.f32 v2, v49  }
0x14a: {  	v51 =	vld [tilespmem:$0x1FEA0];
	v16 =	vadd.s32 s5, v27;
	v49 =	vmul.f32 v1, v39;
	v1 =	vmul.f32 v1, v37  }
0x14b: {  	v8 =	vadd.f32 v29, v8;
	v52 =	vmul.f32 v2, v53;
	v2 =	vmul.f32 v2, v46  }
0x14c: {  	v56 =	vmul.f32 v3, v48;
	v6 =	vadd.f32 v15, v6;
	v7 =	vadd.f32 v10, v7  }
0x14d: {  	v57 =	vmul.f32 v4, v38;
	v35 =	vadd.f32 v11, v35;
	v29 =	vadd.f32 v26, v62  }
0x14e: {  	v10 =	vmul.f32 v4, v42;
	v42 =	vadd.f32 v32, v47;
	v11 =	vadd.f32 v49, v18  }
0x14f: {  	v15 =	vmul.f32 v3, v51;
	v1 =	vadd.f32 v1, v45;
	v7 =	vadd.f32 v33, v7  }
0x150: {  	v9 =	vadd.f32 v41, v35;
	v35 =	vadd.f32 v30, v29;
	v41 =	vmul.f32 v3, v50;
	v50 =	vld [tilespmem:$0x1FE60]  }
0x151: {  	v62 =	vmul.f32 v4, v43;
	v13 =	vadd.f32 v44, v42;
	v11 =	vadd.f32 v52, v11  }
0x152: {  	[tilespmem:v0+s6+$0x0] =	vst.idx.msk $0xffff, v5;
	v33 =	vadd.s32 s5, v24;
	v7 =	vadd.f32 v10, v7;
	v10 =	vadd.f32 v21, v61  }
0x153: {  	v47 =	vadd.s32 s5, v34;
	[tilespmem:v12+s6+$0x0] =	vst.idx.msk $0xffff, v6;
	v1 =	vadd.f32 v2, v1;
	v9 =	vadd.f32 v54, v9  }
0x154: {  	v3 =	vmul.f32 v3, v40;
	[tilespmem:v14+s6+$0x0] =	vst.idx.msk $0xffff, v8;
	v54 =	vadd.s32 s5, v22;
	v10 =	vadd.f32 v28, v10  }
0x155: {  	v5 =	vadd.f32 v41, v35;
	v9 =	vadd.f32 v25, v9;
	v12 =	vmul.f32 v4, v50  }
0x156: {  	v58 =	vadd.s32 s5, v58;
	v53 =	vadd.f32 v15, v13;
	[tilespmem:v16+s6+$0x0] =	vst.idx.msk $0xffff, v7;
	v10 =	vadd.f32 v31, v10  }
0x157: {  	p0 =	sne.s32 s4, $0x17A5;
	v2 =	vadd.f32 v56, v11;
	v61 =	vadd.s32 s5, v63;
	[tilespmem:v33+s6+$0x0] =	vst.idx.msk $0xffff, v9;
	v5 =	vadd.f32 v12, v5  }
.Ltmp0:
0x158: {  	v1 =	vadd.f32 v3, v1;
	v0 =	vadd.f32 v57, v53;
	[tilespmem:v47+s6+$0x0] =	vst.idx.msk $0xffff, v10;
	(pc) =	sbr.rel @p0 .LBB2_1-.Ltmp0, $4  }
0x159: {  	v2 =	vadd.f32 v60, v2;
	[tilespmem:v54+s6+$0x0] =	vst.idx.msk $0xffff, v5  }
0x15a: {  	v63 =	vadd.f32 v62, v1;
	[tilespmem:v55+s6+$0x0] =	vst.idx.msk $0xffff, v0  }
0x15b: {  	[tilespmem:v58+s6+$0x0] =	vst.idx.msk $0xffff, v2  }
0x15c: {  	s4 =	sadd.s32 $0x180, s4;
	s5 =	sadd.s32 $0x280, s5;
	[tilespmem:v61+s6+$0x0] =	vst.idx.msk $0xffff, v63  }
0x15d: {  	s3 =	smul.u32 $0x500, s0  }
0x15e: {  	s30 =	simm.s32 $0x0  }
0x15f: {  	s4 =	simm.s32 $0x1900;
	s31 =	simm.s32 $0x2;
	s2 =	sadd.s32 s2, s3  }
0x160: {  	[hbm4b:s2+s30] =	stream.linear.scatter [tilespmem:s4], [sflag:$0x2], $0x2800, $0x38;
	[tilespmem:$0x4100] =	vst v63  }
0x161: {  	_ =	swait.ge [sflag:s31], $0x2800  }
0x162: {  	[sflag:s31] =	ssyncset.done $0x0  }
0x163: {  	[sflag:s31] =	ssyncadd.s32 $0xFFFFD800  }
0x164: {  	_ =	sfence.sel $0x180000  }
0x165: {  	[bflag:$0x0] =	sbarrier.arrive $0xFFFF  }
0x166: {  	p0 =	sne.s32 s0, $0x0;
	_ =	strace $0x90000047  }
0x167: {  	s0 =	sadd.s32 @!p0 $0x100000, s1;
	[bflag:$0x2] =	sbarrier.arrive $0xFFFF  }
0x168: {  	[sflag:s0] =	ssyncadd.tile.s32 @!p0 $0x1;
	_ =	shalt  }
.Lfunc_end2:
_tile_overlayer_lowered:
.L_overlay_start_2:
0x169: {  	(tag) =	ssettag $0x2  }
0x16a: {  	s0 =	rddreg [dreg:$0x0];
	s2 =	stileid.u32  }
0x16b: {  	s1 =	rddreg [dreg:$0x1];
	p0 =	sne.s32 s2, $0x0  }
0x16c: {  	s3 =	rddreg [dreg:$0x2];
	[bflag:$0x3] =	sbarrier.arrive $0xFFFF;
	s2 =	simm.s32 @!p0 $0x1C02  }
0x16d: {  	[timem:s3], [sflag:s2] =	dma.local @!p0 [hbm:s0], s1  }
0x16e: {  	s0 =	simm.s32 @!p0 $0x2  }
0x16f: {  	_ =	swait.ge @!p0 [sflag:s0], s1  }
0x170: {  	s1 =	ssub.s32 @!p0 $0x0, s1;
	[sflag:s0] =	ssyncset.done @!p0 $0x0  }
0x171: {  	[sflag:s0] =	ssyncadd.s32 @!p0 s1  }
0x172: {  	[bflag:$0x3] =	sbarrier.arrive $0xFFFF  }
0x173: {  	_ =	shalt  }

</sc_bundles>
